<compile_context>
chip_gen: v7x
topology: tpu7x:2x2x1
jax: 0.10.2.dev20260603
libtpu: 0.0.44.dev20260713+nightly
codegen_flags: <defaults>
</compile_context>

<pallas_src>
import functools

import jax
import jax.numpy as jnp
from jax import lax
from jax.experimental import pallas as pl
from jax.experimental.pallas import tpu as pltpu
from jax.experimental.pallas import tpu_sc as plsc

N = 10000
NPAD = 10240
D = 128
E = 320000
EPAD = 323584
PERW = EPAD // 32
K = 128
NCHUNK = PERW // K
ROWS_PER_SUB = NPAD // 16


def _zn_body(x_ref, wt_ref, b_ref, o_ref):
    h = jnp.dot(x_ref[...], wt_ref[...], preferred_element_type=jnp.float32)
    o_ref[...] = jnp.maximum(h + b_ref[...], 0.0)


def _zn_call(xp, WlT, b_l):
    return pl.pallas_call(
        _zn_body,
        grid=(NPAD // 1024,),
        in_specs=[
            pl.BlockSpec((1024, D), lambda i: (i, 0)),
            pl.BlockSpec((D, D), lambda i: (0, 0)),
            pl.BlockSpec((1, D), lambda i: (0, 0)),
        ],
        out_specs=pl.BlockSpec((1024, D), lambda i: (i, 0)),
        out_shape=jax.ShapeDtypeStruct((NPAD, D), jnp.float32),
    )(xp, WlT, b_l)


_mesh = plsc.VectorSubcoreMesh(core_axis_name="c", subcore_axis_name="s")


@functools.partial(
    pl.kernel,
    out_type=(
        jax.ShapeDtypeStruct((2, NPAD, D), jnp.float32),
        jax.ShapeDtypeStruct((2, NPAD), jnp.float32),
    ),
    mesh=_mesh,
    scratch_types=[
        pltpu.VMEM((K,), jnp.int32),
        pltpu.VMEM((K,), jnp.int32),
        pltpu.VMEM((K,), jnp.float32),
        pltpu.VMEM((K, 16), jnp.float32),
        pltpu.VMEM((K, D), jnp.float32),
        pltpu.VMEM((ROWS_PER_SUB,), jnp.float32),
        pltpu.VMEM_SHARED((NPAD, D), jnp.float32),
        pltpu.VMEM_SHARED((NPAD,), jnp.float32),
        pltpu.SemaphoreType.DMA,
    ],
)
def _sc_agg(zn_hbm, src_hbm, dst_hbm, w_hbm, w16_hbm, p_hbm, pw_hbm,
            isrc, idst, wbuf, wbuf16, rows, wz, acc, accw, sem):
    cid = lax.axis_index("c")
    sid = lax.axis_index("s")
    wid = cid * 16 + sid
    zv = jnp.zeros((16,), jnp.float32)

    def _zrow(k, carry):
        for j in range(8):
            rows[k, pl.ds(j * 16, 16)] = zv
        return carry

    lax.fori_loop(0, K, _zrow, 0)

    def _zwz(k, carry):
        wz[pl.ds(k * 16, 16)] = zv
        return carry

    lax.fori_loop(0, ROWS_PER_SUB // 16, _zwz, 0)

    row0 = sid * ROWS_PER_SUB
    for t in range(ROWS_PER_SUB // K):
        pltpu.sync_copy(rows, acc.at[pl.ds(row0 + t * K, K)])
    pltpu.sync_copy(wz, accw.at[pl.ds(row0, ROWS_PER_SUB)])
    plsc.subcore_barrier()

    base = wid * PERW

    def _chunk(c, carry):
        off = base + c * K
        pltpu.sync_copy(src_hbm.at[pl.ds(off, K)], isrc)
        pltpu.sync_copy(dst_hbm.at[pl.ds(off, K)], idst)
        pltpu.sync_copy(w_hbm.at[pl.ds(off, K)], wbuf)
        pltpu.sync_copy(w16_hbm.at[pl.ds(off, K)], wbuf16)
        pltpu.async_copy(zn_hbm.at[isrc], rows, sem).wait()

        def _scale(k, inner):
            wv = wbuf16[k]
            for j in range(8):
                sl = pl.ds(j * 16, 16)
                rows[k, sl] = rows[k, sl] * wv
            return inner

        lax.fori_loop(0, K, _scale, 0)
        pltpu.sync_copy(rows, acc.at[idst], add=True)
        pltpu.sync_copy(wbuf, accw.at[idst], add=True)
        return carry

    lax.fori_loop(0, NCHUNK, _chunk, 0)
    plsc.subcore_barrier()

    pltpu.sync_copy(acc.at[pl.ds(row0, ROWS_PER_SUB)],
                    p_hbm.at[cid, pl.ds(row0, ROWS_PER_SUB)])
    pltpu.sync_copy(accw.at[pl.ds(row0, ROWS_PER_SUB)],
                    pw_hbm.at[cid, pl.ds(row0, ROWS_PER_SUB)])


def _out_body(x_ref, p_ref, pw_ref, wt_ref, b_ref, o_ref):
    aggw = pw_ref[0] + pw_ref[1] + 1.0
    agg = (p_ref[0] + p_ref[1]) / aggw
    h = jnp.dot(x_ref[...], wt_ref[0:D, :], preferred_element_type=jnp.float32)
    h = h + jnp.dot(agg, wt_ref[D:2 * D, :], preferred_element_type=jnp.float32)
    h = jnp.maximum(h + b_ref[...], 0.0)
    nrm = jnp.sqrt(jnp.sum(h * h, axis=1, keepdims=True))
    o_ref[...] = h / jnp.maximum(nrm, 1e-12)


def _out_call(xp, P, Pw_col, WrT, b_r):
    return pl.pallas_call(
        _out_body,
        grid=(NPAD // 1024,),
        in_specs=[
            pl.BlockSpec((1024, D), lambda i: (i, 0)),
            pl.BlockSpec((2, 1024, D), lambda i: (0, i, 0)),
            pl.BlockSpec((2, 1024, 1), lambda i: (0, i, 0)),
            pl.BlockSpec((2 * D, D), lambda i: (0, 0)),
            pl.BlockSpec((1, D), lambda i: (0, 0)),
        ],
        out_specs=pl.BlockSpec((1024, D), lambda i: (i, 0)),
        out_shape=jax.ShapeDtypeStruct((NPAD, D), jnp.float32),
    )(xp, P, Pw_col, WrT, b_r)


def kernel(x, edge_index, w, W_l, b_l, W_r, b_r):
    xp = jnp.pad(x, ((0, NPAD - N), (0, 0)))
    src = jnp.pad(edge_index[0, :], (0, EPAD - E))
    dst = jnp.pad(edge_index[1, :], (0, EPAD - E), constant_values=NPAD - 1)
    wp = jnp.pad(w, (0, EPAD - E))
    w16 = jnp.broadcast_to(wp[:, None], (EPAD, 16))

    zn = _zn_call(xp, W_l.T, b_l.reshape(1, D))
    P, Pw = _sc_agg(zn, src, dst, wp, w16)
    out = _out_call(xp, P, Pw.reshape(2, NPAD, 1), W_r.T, b_r.reshape(1, D))
    return out[:N]

# --- scband reference (transcript-rebuilt; emitter-appended) ---
"""Pipeline reference for scband-pin-sagelayer-23837068493398 (READ-ONLY COPY).

The authoritative reference and input builder live on the scoring server;
editing this copy changes nothing except your own understanding.
"""

import jax, jax.numpy as jnp
import numpy as np

N_NODES = 10000
N_EDGES = 320000
D_IN = 128
D_OUT = 128


def setup_inputs(seed: int = 0) -> dict:
    key = jax.random.key(seed)
    ks = jax.random.split(key, 8)
    x = jax.random.normal(ks[0], (N_NODES, D_IN), dtype=jnp.float32)
    edge_index = jax.random.randint(ks[1], (2, N_EDGES), 0, N_NODES, dtype=jnp.int32)
    w = jax.random.uniform(ks[2], (N_EDGES,), dtype=jnp.float32)
    # lin_l: Linear(in_v=128 -> 128); lin_r: Linear(128+128 -> 128)
    W_l = jax.random.normal(ks[3], (D_OUT, D_IN), dtype=jnp.float32) * (1.0 / np.sqrt(D_IN))
    b_l = jnp.zeros((D_OUT,), dtype=jnp.float32)
    W_r = jax.random.normal(ks[4], (D_OUT, D_IN + D_OUT), dtype=jnp.float32) * (1.0 / np.sqrt(D_IN + D_OUT))
    b_r = jnp.zeros((D_OUT,), dtype=jnp.float32)
    return {"x": x, "edge_index": edge_index, "w": w, "W_l": W_l, "b_l": b_l, "W_r": W_r, "b_r": b_r}


def reference(x, edge_index, w, W_l, b_l, W_r, b_r):
    n = x.shape[0]
    # z_n = relu(lin_l(x))
    z_n = jax.nn.relu(x @ W_l.T + b_l)
    src = edge_index[0, :]
    dst = edge_index[1, :]
    # agg_w = scatter_sum(w, dst) + 1
    agg_w = jax.ops.segment_sum(w, dst, num_segments=n)[:, None] + 1.0
    # gather = z_n[src] * w[:, None]; agg = scatter_sum(gather, dst) / agg_w
    gather = jnp.take(z_n, src, axis=0) * w[:, None]
    agg = jax.ops.segment_sum(gather, dst, num_segments=n) / agg_w
    # out = relu(lin_r(cat([x, agg])))
    out = jax.nn.relu(jnp.concatenate([x, agg], axis=1) @ W_r.T + b_r)
    # F.normalize(out, p=2, dim=-1): x / max(||x||, eps)
    norm = jnp.linalg.norm(out, axis=-1, keepdims=True)
    out = out / jnp.maximum(norm, 1e-12)
    return out

if __name__ == "__main__":
    import jax
    _d = setup_inputs()
    print(jax.jit(kernel)(*tuple(_d.values())))

</pallas_src>

<mosaic_0001>
#map = affine_map<(d0, d1) -> (0, 0)>
#map1 = affine_map<(d0, d1) -> (0)>
#map2 = affine_map<(d0, d1) -> (0, 0, 0)>
module attributes {stable_mosaic.version = 14 : i64} {
  func.func @_sc_agg(%arg0: i32, %arg1: i32, %arg2: memref<10240x128xf32, #tpu.memory_space<hbm>>, %arg3: memref<323584xi32, #tpu.memory_space<hbm>>, %arg4: memref<323584xi32, #tpu.memory_space<hbm>>, %arg5: memref<323584xf32, #tpu.memory_space<hbm>>, %arg6: memref<323584x16xf32, #tpu.memory_space<hbm>>, %arg7: memref<2x10240x128xf32, #tpu.memory_space<hbm>>, %arg8: memref<2x10240xf32, #tpu.memory_space<hbm>>, %arg9: memref<128xi32, #tpu.memory_space<vmem>>, %arg10: memref<128xi32, #tpu.memory_space<vmem>>, %arg11: memref<128xf32, #tpu.memory_space<vmem>>, %arg12: memref<128x16xf32, #tpu.memory_space<vmem>>, %arg13: memref<128x128xf32, #tpu.memory_space<vmem>>, %arg14: memref<640xf32, #tpu.memory_space<vmem>>, %arg15: memref<10240x128xf32, #tpu.memory_space<vmem_shared>>, %arg16: memref<10240xf32, #tpu.memory_space<vmem_shared>>, %arg17: memref<!tpu.dma_semaphore, #tpu.memory_space<semaphore_mem>>) attributes {dimension_semantics = [#tpu.dimension_semantics<core_parallel>, #tpu.dimension_semantics<subcore_parallel>], iteration_bounds = array<i64: 2, 16>, scalar_prefetch = 0 : i64, scratch_operands = 9 : i64, tpu.core_type = #tpu.core_type<sc_vector_subcore>, window_params = [{transform_indices = #map}, {transform_indices = #map1}, {transform_indices = #map1}, {transform_indices = #map1}, {transform_indices = #map}, {transform_indices = #map2}, {transform_indices = #map}]} {
    %mul3A = arith.constant 16 : i32
    %mul3A_0 = arith.muli %arg0, %mul3A : i32
    %add3A = arith.addi %mul3A_0, %arg1 : i32
    %broadcast_in_dim3A = arith.constant 0.000000e+00 : f32
    %broadcast_in_dim3A_1 = vector.broadcast %broadcast_in_dim3A : f32 to vector<16xf32>
    %scan3A = arith.constant 0 : i32
    %scan3A_2 = arith.constant 0 : i32
    %scan3A_3 = arith.constant 128 : i32
    %scan3A_4 = arith.addi %scan3A_2, %scan3A_3 : i32
    %scan3A_5 = arith.constant 1 : i32
    scf.for %scan3A_34 = %scan3A_2 to %scan3A_4 step %scan3A_5  : i32 {
      %swap3A = arith.index_cast %scan3A_34 : i32 to index
      %swap3A_35 = arith.constant 0 : index
      %swap3A_36 = tpu.vector_load %arg13[%swap3A, %swap3A_35] {strides = array<i32>} : memref<128x128xf32, #tpu.memory_space<vmem>>, vector<1x16xf32>,
      %swap3A_37 = vector.shape_cast %swap3A_36 : vector<1x16xf32> to vector<16xf32>
      %swap3A_38 = vector.shape_cast %broadcast_in_dim3A_1 : vector<16xf32> to vector<1x16xf32>
      tpu.vector_store %arg13[%swap3A, %swap3A_35], %swap3A_38 {strides = array<i32>} : memref<128x128xf32, #tpu.memory_space<vmem>>, vector<1x16xf32>,
      %swap3A_39 = arith.index_cast %scan3A_34 : i32 to index
      %swap3A_40 = arith.constant 16 : index
      %swap3A_41 = tpu.vector_load %arg13[%swap3A_39, %swap3A_40] {strides = array<i32>} : memref<128x128xf32, #tpu.memory_space<vmem>>, vector<1x16xf32>,
      %swap3A_42 = vector.shape_cast %swap3A_41 : vector<1x16xf32> to vector<16xf32>
      %swap3A_43 = vector.shape_cast %broadcast_in_dim3A_1 : vector<16xf32> to vector<1x16xf32>
      tpu.vector_store %arg13[%swap3A_39, %swap3A_40], %swap3A_43 {strides = array<i32>} : memref<128x128xf32, #tpu.memory_space<vmem>>, vector<1x16xf32>,
      %swap3A_44 = arith.index_cast %scan3A_34 : i32 to index
      %swap3A_45 = arith.constant 32 : index
      %swap3A_46 = tpu.vector_load %arg13[%swap3A_44, %swap3A_45] {strides = array<i32>} : memref<128x128xf32, #tpu.memory_space<vmem>>, vector<1x16xf32>,
      %swap3A_47 = vector.shape_cast %swap3A_46 : vector<1x16xf32> to vector<16xf32>
      %swap3A_48 = vector.shape_cast %broadcast_in_dim3A_1 : vector<16xf32> to vector<1x16xf32>
      tpu.vector_store %arg13[%swap3A_44, %swap3A_45], %swap3A_48 {strides = array<i32>} : memref<128x128xf32, #tpu.memory_space<vmem>>, vector<1x16xf32>,
      %swap3A_49 = arith.index_cast %scan3A_34 : i32 to index
      %swap3A_50 = arith.constant 48 : index
      %swap3A_51 = tpu.vector_load %arg13[%swap3A_49, %swap3A_50] {strides = array<i32>} : memref<128x128xf32, #tpu.memory_space<vmem>>, vector<1x16xf32>,
      %swap3A_52 = vector.shape_cast %swap3A_51 : vector<1x16xf32> to vector<16xf32>
      %swap3A_53 = vector.shape_cast %broadcast_in_dim3A_1 : vector<16xf32> to vector<1x16xf32>
      tpu.vector_store %arg13[%swap3A_49, %swap3A_50], %swap3A_53 {strides = array<i32>} : memref<128x128xf32, #tpu.memory_space<vmem>>, vector<1x16xf32>,
      %swap3A_54 = arith.index_cast %scan3A_34 : i32 to index
      %swap3A_55 = arith.constant 64 : index
      %swap3A_56 = tpu.vector_load %arg13[%swap3A_54, %swap3A_55] {strides = array<i32>} : memref<128x128xf32, #tpu.memory_space<vmem>>, vector<1x16xf32>,
      %swap3A_57 = vector.shape_cast %swap3A_56 : vector<1x16xf32> to vector<16xf32>
      %swap3A_58 = vector.shape_cast %broadcast_in_dim3A_1 : vector<16xf32> to vector<1x16xf32>
      tpu.vector_store %arg13[%swap3A_54, %swap3A_55], %swap3A_58 {strides = array<i32>} : memref<128x128xf32, #tpu.memory_space<vmem>>, vector<1x16xf32>,
      %swap3A_59 = arith.index_cast %scan3A_34 : i32 to index
      %swap3A_60 = arith.constant 80 : index
      %swap3A_61 = tpu.vector_load %arg13[%swap3A_59, %swap3A_60] {strides = array<i32>} : memref<128x128xf32, #tpu.memory_space<vmem>>, vector<1x16xf32>,
      %swap3A_62 = vector.shape_cast %swap3A_61 : vector<1x16xf32> to vector<16xf32>
      %swap3A_63 = vector.shape_cast %broadcast_in_dim3A_1 : vector<16xf32> to vector<1x16xf32>
      tpu.vector_store %arg13[%swap3A_59, %swap3A_60], %swap3A_63 {strides = array<i32>} : memref<128x128xf32, #tpu.memory_space<vmem>>, vector<1x16xf32>,
      %swap3A_64 = arith.index_cast %scan3A_34 : i32 to index
      %swap3A_65 = arith.constant 96 : index
      %swap3A_66 = tpu.vector_load %arg13[%swap3A_64, %swap3A_65] {strides = array<i32>} : memref<128x128xf32, #tpu.memory_space<vmem>>, vector<1x16xf32>,
      %swap3A_67 = vector.shape_cast %swap3A_66 : vector<1x16xf32> to vector<16xf32>
      %swap3A_68 = vector.shape_cast %broadcast_in_dim3A_1 : vector<16xf32> to vector<1x16xf32>
      tpu.vector_store %arg13[%swap3A_64, %swap3A_65], %swap3A_68 {strides = array<i32>} : memref<128x128xf32, #tpu.memory_space<vmem>>, vector<1x16xf32>,
      %swap3A_69 = arith.index_cast %scan3A_34 : i32 to index
      %swap3A_70 = arith.constant 112 : index
      %swap3A_71 = tpu.vector_load %arg13[%swap3A_69, %swap3A_70] {strides = array<i32>} : memref<128x128xf32, #tpu.memory_space<vmem>>, vector<1x16xf32>,
      %swap3A_72 = vector.shape_cast %swap3A_71 : vector<1x16xf32> to vector<16xf32>
      %swap3A_73 = vector.shape_cast %broadcast_in_dim3A_1 : vector<16xf32> to vector<1x16xf32>
      tpu.vector_store %arg13[%swap3A_69, %swap3A_70], %swap3A_73 {strides = array<i32>} : memref<128x128xf32, #tpu.memory_space<vmem>>, vector<1x16xf32>,
    }
    %scan3A_6 = arith.constant 128 : i32
    %scan3A_7 = arith.constant 0 : i32
    %scan3A_8 = arith.constant 0 : i32
    %scan3A_9 = arith.constant 40 : i32
    %scan3A_10 = arith.addi %scan3A_8, %scan3A_9 : i32
    %scan3A_11 = arith.constant 1 : i32
    scf.for %scan3A_34 = %scan3A_8 to %scan3A_10 step %scan3A_11  : i32 {
      %mul3A_35 = arith.constant 16 : i32
      %mul3A_36 = arith.muli %scan3A_34, %mul3A_35 : i32
      %swap3A = arith.index_cast %mul3A_36 : i32 to index
      %swap3A_37 = tpu.vector_load %arg14[%swap3A] {strides = array<i32>} : memref<640xf32, #tpu.memory_space<vmem>>, vector<16xf32>,
      %swap3A_38 = vector.shape_cast %swap3A_37 : vector<16xf32> to vector<16xf32>
      %swap3A_39 = vector.shape_cast %broadcast_in_dim3A_1 : vector<16xf32> to vector<16xf32>
      tpu.vector_store %arg14[%swap3A], %swap3A_39 {strides = array<i32>} : memref<640xf32, #tpu.memory_space<vmem>>, vector<16xf32>,
    }
    %scan3A_12 = arith.constant 40 : i32
    %mul3A_13 = arith.constant 640 : i32
    %mul3A_14 = arith.muli %arg1, %mul3A_13 : i32
    %add3A_15 = arith.constant 0 : i32
    %add3A_16 = arith.addi %mul3A_14, %add3A_15 : i32
    "tpu.region"() ({
      %run_scoped3A = tpu.sem_alloc : memref<!tpu.dma_semaphore, #tpu.memory_space<semaphore_mem>>
      %dma_start3A = arith.constant 0 : i32
      %dma_start3A_34 = tpu.memref_slice %arg15[%add3A_16, %dma_start3A] : memref<10240x128xf32, #tpu.memory_space<vmem_shared>> -> memref<128x128xf32, #tpu.memory_space<vmem_shared>>
      %dma_start3A_35 = arith.constant 0 : i32
      %dma_start3A_36 = tpu.memref_slice %arg15[%add3A_16, %dma_start3A_35] : memref<10240x128xf32, #tpu.memory_space<vmem_shared>> -> memref<128x128xf32, #tpu.memory_space<vmem_shared>>
      tpu.enqueue_dma source(%arg13 : memref<128x128xf32, #tpu.memory_space<vmem>>) target(%dma_start3A_36 : memref<128x128xf32, #tpu.memory_space<vmem_shared>>) target_semaphore(%run_scoped3A : memref<!tpu.dma_semaphore, #tpu.memory_space<semaphore_mem>>)
      %dma_wait3A = arith.constant 0 : i32
      %dma_wait3A_37 = tpu.memref_slice %arg15[%add3A_16, %dma_wait3A] : memref<10240x128xf32, #tpu.memory_space<vmem_shared>> -> memref<128x128xf32, #tpu.memory_space<vmem_shared>>
      %dma_wait3A_38 = arith.constant 0 : i32
      %dma_wait3A_39 = tpu.memref_slice %arg15[%add3A_16, %dma_wait3A_38] : memref<10240x128xf32, #tpu.memory_space<vmem_shared>> -> memref<128x128xf32, #tpu.memory_space<vmem_shared>>
      tpu.wait_dma2 semaphore(%run_scoped3A : memref<!tpu.dma_semaphore, #tpu.memory_space<semaphore_mem>>) src(%arg13 : memref<128x128xf32, #tpu.memory_space<vmem>>) dst(%dma_wait3A_39 : memref<128x128xf32, #tpu.memory_space<vmem_shared>>)
      tpu.yield
    }) : () -> ()
    %add3A_17 = arith.constant 128 : i32
    %add3A_18 = arith.addi %mul3A_14, %add3A_17 : i32
    "tpu.region"() ({
      %run_scoped3A = tpu.sem_alloc : memref<!tpu.dma_semaphore, #tpu.memory_space<semaphore_mem>>
      %dma_start3A = arith.constant 0 : i32
      %dma_start3A_34 = tpu.memref_slice %arg15[%add3A_18, %dma_start3A] : memref<10240x128xf32, #tpu.memory_space<vmem_shared>> -> memref<128x128xf32, #tpu.memory_space<vmem_shared>>
      %dma_start3A_35 = arith.constant 0 : i32
      %dma_start3A_36 = tpu.memref_slice %arg15[%add3A_18, %dma_start3A_35] : memref<10240x128xf32, #tpu.memory_space<vmem_shared>> -> memref<128x128xf32, #tpu.memory_space<vmem_shared>>
      tpu.enqueue_dma source(%arg13 : memref<128x128xf32, #tpu.memory_space<vmem>>) target(%dma_start3A_36 : memref<128x128xf32, #tpu.memory_space<vmem_shared>>) target_semaphore(%run_scoped3A : memref<!tpu.dma_semaphore, #tpu.memory_space<semaphore_mem>>)
      %dma_wait3A = arith.constant 0 : i32
      %dma_wait3A_37 = tpu.memref_slice %arg15[%add3A_18, %dma_wait3A] : memref<10240x128xf32, #tpu.memory_space<vmem_shared>> -> memref<128x128xf32, #tpu.memory_space<vmem_shared>>
      %dma_wait3A_38 = arith.constant 0 : i32
      %dma_wait3A_39 = tpu.memref_slice %arg15[%add3A_18, %dma_wait3A_38] : memref<10240x128xf32, #tpu.memory_space<vmem_shared>> -> memref<128x128xf32, #tpu.memory_space<vmem_shared>>
      tpu.wait_dma2 semaphore(%run_scoped3A : memref<!tpu.dma_semaphore, #tpu.memory_space<semaphore_mem>>) src(%arg13 : memref<128x128xf32, #tpu.memory_space<vmem>>) dst(%dma_wait3A_39 : memref<128x128xf32, #tpu.memory_space<vmem_shared>>)
      tpu.yield
    }) : () -> ()
    %add3A_19 = arith.constant 256 : i32
    %add3A_20 = arith.addi %mul3A_14, %add3A_19 : i32
    "tpu.region"() ({
      %run_scoped3A = tpu.sem_alloc : memref<!tpu.dma_semaphore, #tpu.memory_space<semaphore_mem>>
      %dma_start3A = arith.constant 0 : i32
      %dma_start3A_34 = tpu.memref_slice %arg15[%add3A_20, %dma_start3A] : memref<10240x128xf32, #tpu.memory_space<vmem_shared>> -> memref<128x128xf32, #tpu.memory_space<vmem_shared>>
      %dma_start3A_35 = arith.constant 0 : i32
      %dma_start3A_36 = tpu.memref_slice %arg15[%add3A_20, %dma_start3A_35] : memref<10240x128xf32, #tpu.memory_space<vmem_shared>> -> memref<128x128xf32, #tpu.memory_space<vmem_shared>>
      tpu.enqueue_dma source(%arg13 : memref<128x128xf32, #tpu.memory_space<vmem>>) target(%dma_start3A_36 : memref<128x128xf32, #tpu.memory_space<vmem_shared>>) target_semaphore(%run_scoped3A : memref<!tpu.dma_semaphore, #tpu.memory_space<semaphore_mem>>)
      %dma_wait3A = arith.constant 0 : i32
      %dma_wait3A_37 = tpu.memref_slice %arg15[%add3A_20, %dma_wait3A] : memref<10240x128xf32, #tpu.memory_space<vmem_shared>> -> memref<128x128xf32, #tpu.memory_space<vmem_shared>>
      %dma_wait3A_38 = arith.constant 0 : i32
      %dma_wait3A_39 = tpu.memref_slice %arg15[%add3A_20, %dma_wait3A_38] : memref<10240x128xf32, #tpu.memory_space<vmem_shared>> -> memref<128x128xf32, #tpu.memory_space<vmem_shared>>
      tpu.wait_dma2 semaphore(%run_scoped3A : memref<!tpu.dma_semaphore, #tpu.memory_space<semaphore_mem>>) src(%arg13 : memref<128x128xf32, #tpu.memory_space<vmem>>) dst(%dma_wait3A_39 : memref<128x128xf32, #tpu.memory_space<vmem_shared>>)
      tpu.yield
    }) : () -> ()
    %add3A_21 = arith.constant 384 : i32
    %add3A_22 = arith.addi %mul3A_14, %add3A_21 : i32
    "tpu.region"() ({
      %run_scoped3A = tpu.sem_alloc : memref<!tpu.dma_semaphore, #tpu.memory_space<semaphore_mem>>
      %dma_start3A = arith.constant 0 : i32
      %dma_start3A_34 = tpu.memref_slice %arg15[%add3A_22, %dma_start3A] : memref<10240x128xf32, #tpu.memory_space<vmem_shared>> -> memref<128x128xf32, #tpu.memory_space<vmem_shared>>
      %dma_start3A_35 = arith.constant 0 : i32
      %dma_start3A_36 = tpu.memref_slice %arg15[%add3A_22, %dma_start3A_35] : memref<10240x128xf32, #tpu.memory_space<vmem_shared>> -> memref<128x128xf32, #tpu.memory_space<vmem_shared>>
      tpu.enqueue_dma source(%arg13 : memref<128x128xf32, #tpu.memory_space<vmem>>) target(%dma_start3A_36 : memref<128x128xf32, #tpu.memory_space<vmem_shared>>) target_semaphore(%run_scoped3A : memref<!tpu.dma_semaphore, #tpu.memory_space<semaphore_mem>>)
      %dma_wait3A = arith.constant 0 : i32
      %dma_wait3A_37 = tpu.memref_slice %arg15[%add3A_22, %dma_wait3A] : memref<10240x128xf32, #tpu.memory_space<vmem_shared>> -> memref<128x128xf32, #tpu.memory_space<vmem_shared>>
      %dma_wait3A_38 = arith.constant 0 : i32
      %dma_wait3A_39 = tpu.memref_slice %arg15[%add3A_22, %dma_wait3A_38] : memref<10240x128xf32, #tpu.memory_space<vmem_shared>> -> memref<128x128xf32, #tpu.memory_space<vmem_shared>>
      tpu.wait_dma2 semaphore(%run_scoped3A : memref<!tpu.dma_semaphore, #tpu.memory_space<semaphore_mem>>) src(%arg13 : memref<128x128xf32, #tpu.memory_space<vmem>>) dst(%dma_wait3A_39 : memref<128x128xf32, #tpu.memory_space<vmem_shared>>)
      tpu.yield
    }) : () -> ()
    %add3A_23 = arith.constant 512 : i32
    %add3A_24 = arith.addi %mul3A_14, %add3A_23 : i32
    "tpu.region"() ({
      %run_scoped3A = tpu.sem_alloc : memref<!tpu.dma_semaphore, #tpu.memory_space<semaphore_mem>>
      %dma_start3A = arith.constant 0 : i32
      %dma_start3A_34 = tpu.memref_slice %arg15[%add3A_24, %dma_start3A] : memref<10240x128xf32, #tpu.memory_space<vmem_shared>> -> memref<128x128xf32, #tpu.memory_space<vmem_shared>>
      %dma_start3A_35 = arith.constant 0 : i32
      %dma_start3A_36 = tpu.memref_slice %arg15[%add3A_24, %dma_start3A_35] : memref<10240x128xf32, #tpu.memory_space<vmem_shared>> -> memref<128x128xf32, #tpu.memory_space<vmem_shared>>
      tpu.enqueue_dma source(%arg13 : memref<128x128xf32, #tpu.memory_space<vmem>>) target(%dma_start3A_36 : memref<128x128xf32, #tpu.memory_space<vmem_shared>>) target_semaphore(%run_scoped3A : memref<!tpu.dma_semaphore, #tpu.memory_space<semaphore_mem>>)
      %dma_wait3A = arith.constant 0 : i32
      %dma_wait3A_37 = tpu.memref_slice %arg15[%add3A_24, %dma_wait3A] : memref<10240x128xf32, #tpu.memory_space<vmem_shared>> -> memref<128x128xf32, #tpu.memory_space<vmem_shared>>
      %dma_wait3A_38 = arith.constant 0 : i32
      %dma_wait3A_39 = tpu.memref_slice %arg15[%add3A_24, %dma_wait3A_38] : memref<10240x128xf32, #tpu.memory_space<vmem_shared>> -> memref<128x128xf32, #tpu.memory_space<vmem_shared>>
      tpu.wait_dma2 semaphore(%run_scoped3A : memref<!tpu.dma_semaphore, #tpu.memory_space<semaphore_mem>>) src(%arg13 : memref<128x128xf32, #tpu.memory_space<vmem>>) dst(%dma_wait3A_39 : memref<128x128xf32, #tpu.memory_space<vmem_shared>>)
      tpu.yield
    }) : () -> ()
    "tpu.region"() ({
      %run_scoped3A = tpu.sem_alloc : memref<!tpu.dma_semaphore, #tpu.memory_space<semaphore_mem>>
      %dma_start3A = tpu.memref_slice %arg16[%mul3A_14] : memref<10240xf32, #tpu.memory_space<vmem_shared>> -> memref<640xf32, #tpu.memory_space<vmem_shared>>
      %dma_start3A_34 = tpu.memref_slice %arg16[%mul3A_14] : memref<10240xf32, #tpu.memory_space<vmem_shared>> -> memref<640xf32, #tpu.memory_space<vmem_shared>>
      tpu.enqueue_dma source(%arg14 : memref<640xf32, #tpu.memory_space<vmem>>) target(%dma_start3A_34 : memref<640xf32, #tpu.memory_space<vmem_shared>>) target_semaphore(%run_scoped3A : memref<!tpu.dma_semaphore, #tpu.memory_space<semaphore_mem>>)
      %dma_wait3A = tpu.memref_slice %arg16[%mul3A_14] : memref<10240xf32, #tpu.memory_space<vmem_shared>> -> memref<640xf32, #tpu.memory_space<vmem_shared>>
      %dma_wait3A_35 = tpu.memref_slice %arg16[%mul3A_14] : memref<10240xf32, #tpu.memory_space<vmem_shared>> -> memref<640xf32, #tpu.memory_space<vmem_shared>>
      tpu.wait_dma2 semaphore(%run_scoped3A : memref<!tpu.dma_semaphore, #tpu.memory_space<semaphore_mem>>) src(%arg14 : memref<640xf32, #tpu.memory_space<vmem>>) dst(%dma_wait3A_35 : memref<640xf32, #tpu.memory_space<vmem_shared>>)
      tpu.yield
    }) : () -> ()
    %barrier3A = arith.constant 0 : index
    tpu.barrier barrier_id(%barrier3A)
    %mul3A_25 = arith.constant 10112 : i32
    %mul3A_26 = arith.muli %add3A, %mul3A_25 : i32
    %scan3A_27 = arith.constant 0 : i32
    %scan3A_28 = arith.constant 0 : i32
    %scan3A_29 = arith.constant 79 : i32
    %scan3A_30 = arith.addi %scan3A_28, %scan3A_29 : i32
    %scan3A_31 = arith.constant 1 : i32
    scf.for %scan3A_34 = %scan3A_28 to %scan3A_30 step %scan3A_31  : i32 {
      %mul3A_35 = arith.constant 128 : i32
      %mul3A_36 = arith.muli %scan3A_34, %mul3A_35 : i32
      %add3A_37 = arith.addi %mul3A_26, %mul3A_36 : i32
      "tpu.region"() ({
        %run_scoped3A = tpu.sem_alloc : memref<!tpu.dma_semaphore, #tpu.memory_space<semaphore_mem>>
        %dma_start3A_48 = tpu.memref_slice %arg3[%add3A_37] : memref<323584xi32, #tpu.memory_space<hbm>> -> memref<128xi32, #tpu.memory_space<hbm>>
        %dma_start3A_49 = tpu.memref_slice %arg3[%add3A_37] : memref<323584xi32, #tpu.memory_space<hbm>> -> memref<128xi32, #tpu.memory_space<hbm>>
        tpu.enqueue_dma source(%dma_start3A_49 : memref<128xi32, #tpu.memory_space<hbm>>) target(%arg9 : memref<128xi32, #tpu.memory_space<vmem>>) target_semaphore(%run_scoped3A : memref<!tpu.dma_semaphore, #tpu.memory_space<semaphore_mem>>)
        %dma_wait3A_50 = tpu.memref_slice %arg3[%add3A_37] : memref<323584xi32, #tpu.memory_space<hbm>> -> memref<128xi32, #tpu.memory_space<hbm>>
        %dma_wait3A_51 = tpu.memref_slice %arg3[%add3A_37] : memref<323584xi32, #tpu.memory_space<hbm>> -> memref<128xi32, #tpu.memory_space<hbm>>
        tpu.wait_dma2 semaphore(%run_scoped3A : memref<!tpu.dma_semaphore, #tpu.memory_space<semaphore_mem>>) src(%dma_wait3A_51 : memref<128xi32, #tpu.memory_space<hbm>>) dst(%arg9 : memref<128xi32, #tpu.memory_space<vmem>>)
        tpu.yield
      }) : () -> ()
      "tpu.region"() ({
        %run_scoped3A = tpu.sem_alloc : memref<!tpu.dma_semaphore, #tpu.memory_space<semaphore_mem>>
        %dma_start3A_48 = tpu.memref_slice %arg4[%add3A_37] : memref<323584xi32, #tpu.memory_space<hbm>> -> memref<128xi32, #tpu.memory_space<hbm>>
        %dma_start3A_49 = tpu.memref_slice %arg4[%add3A_37] : memref<323584xi32, #tpu.memory_space<hbm>> -> memref<128xi32, #tpu.memory_space<hbm>>
        tpu.enqueue_dma source(%dma_start3A_49 : memref<128xi32, #tpu.memory_space<hbm>>) target(%arg10 : memref<128xi32, #tpu.memory_space<vmem>>) target_semaphore(%run_scoped3A : memref<!tpu.dma_semaphore, #tpu.memory_space<semaphore_mem>>)
        %dma_wait3A_50 = tpu.memref_slice %arg4[%add3A_37] : memref<323584xi32, #tpu.memory_space<hbm>> -> memref<128xi32, #tpu.memory_space<hbm>>
        %dma_wait3A_51 = tpu.memref_slice %arg4[%add3A_37] : memref<323584xi32, #tpu.memory_space<hbm>> -> memref<128xi32, #tpu.memory_space<hbm>>
        tpu.wait_dma2 semaphore(%run_scoped3A : memref<!tpu.dma_semaphore, #tpu.memory_space<semaphore_mem>>) src(%dma_wait3A_51 : memref<128xi32, #tpu.memory_space<hbm>>) dst(%arg10 : memref<128xi32, #tpu.memory_space<vmem>>)
        tpu.yield
      }) : () -> ()
      "tpu.region"() ({
        %run_scoped3A = tpu.sem_alloc : memref<!tpu.dma_semaphore, #tpu.memory_space<semaphore_mem>>
        %dma_start3A_48 = tpu.memref_slice %arg5[%add3A_37] : memref<323584xf32, #tpu.memory_space<hbm>> -> memref<128xf32, #tpu.memory_space<hbm>>
        %dma_start3A_49 = tpu.memref_slice %arg5[%add3A_37] : memref<323584xf32, #tpu.memory_space<hbm>> -> memref<128xf32, #tpu.memory_space<hbm>>
        tpu.enqueue_dma source(%dma_start3A_49 : memref<128xf32, #tpu.memory_space<hbm>>) target(%arg11 : memref<128xf32, #tpu.memory_space<vmem>>) target_semaphore(%run_scoped3A : memref<!tpu.dma_semaphore, #tpu.memory_space<semaphore_mem>>)
        %dma_wait3A_50 = tpu.memref_slice %arg5[%add3A_37] : memref<323584xf32, #tpu.memory_space<hbm>> -> memref<128xf32, #tpu.memory_space<hbm>>
        %dma_wait3A_51 = tpu.memref_slice %arg5[%add3A_37] : memref<323584xf32, #tpu.memory_space<hbm>> -> memref<128xf32, #tpu.memory_space<hbm>>
        tpu.wait_dma2 semaphore(%run_scoped3A : memref<!tpu.dma_semaphore, #tpu.memory_space<semaphore_mem>>) src(%dma_wait3A_51 : memref<128xf32, #tpu.memory_space<hbm>>) dst(%arg11 : memref<128xf32, #tpu.memory_space<vmem>>)
        tpu.yield
      }) : () -> ()
      "tpu.region"() ({
        %run_scoped3A = tpu.sem_alloc : memref<!tpu.dma_semaphore, #tpu.memory_space<semaphore_mem>>
        %dma_start3A_48 = arith.constant 0 : i32
        %dma_start3A_49 = tpu.memref_slice %arg6[%add3A_37, %dma_start3A_48] : memref<323584x16xf32, #tpu.memory_space<hbm>> -> memref<128x16xf32, #tpu.memory_space<hbm>>
        %dma_start3A_50 = arith.constant 0 : i32
        %dma_start3A_51 = tpu.memref_slice %arg6[%add3A_37, %dma_start3A_50] : memref<323584x16xf32, #tpu.memory_space<hbm>> -> memref<128x16xf32, #tpu.memory_space<hbm>>
        tpu.enqueue_dma source(%dma_start3A_51 : memref<128x16xf32, #tpu.memory_space<hbm>>) target(%arg12 : memref<128x16xf32, #tpu.memory_space<vmem>>) target_semaphore(%run_scoped3A : memref<!tpu.dma_semaphore, #tpu.memory_space<semaphore_mem>>)
        %dma_wait3A_52 = arith.constant 0 : i32
        %dma_wait3A_53 = tpu.memref_slice %arg6[%add3A_37, %dma_wait3A_52] : memref<323584x16xf32, #tpu.memory_space<hbm>> -> memref<128x16xf32, #tpu.memory_space<hbm>>
        %dma_wait3A_54 = arith.constant 0 : i32
        %dma_wait3A_55 = tpu.memref_slice %arg6[%add3A_37, %dma_wait3A_54] : memref<323584x16xf32, #tpu.memory_space<hbm>> -> memref<128x16xf32, #tpu.memory_space<hbm>>
        tpu.wait_dma2 semaphore(%run_scoped3A : memref<!tpu.dma_semaphore, #tpu.memory_space<semaphore_mem>>) src(%dma_wait3A_55 : memref<128x16xf32, #tpu.memory_space<hbm>>) dst(%arg12 : memref<128x16xf32, #tpu.memory_space<vmem>>)
        tpu.yield
      }) : () -> ()
      %dma_start3A = arith.constant 0 : i32
      %dma_start3A_38 = arith.constant 0 : i32
      %dma_start3A_39 = tpu.memref_slice %arg2[%dma_start3A, %dma_start3A_38] : memref<10240x128xf32, #tpu.memory_space<hbm>> -> memref<10240x128xf32, #tpu.memory_space<hbm>>
      tpu.enqueue_indirect_dma source(%dma_start3A_39 : memref<10240x128xf32, #tpu.memory_space<hbm>>) target(%arg13 : memref<128x128xf32, #tpu.memory_space<vmem>>) offsets(%arg9 : memref<128xi32, #tpu.memory_space<vmem>>) semaphore(%arg17 : memref<!tpu.dma_semaphore, #tpu.memory_space<semaphore_mem>>)
      %dma_wait3A = arith.constant 0 : i32
      %dma_wait3A_40 = arith.constant 0 : i32
      %dma_wait3A_41 = tpu.memref_slice %arg2[%dma_wait3A, %dma_wait3A_40] : memref<10240x128xf32, #tpu.memory_space<hbm>> -> memref<10240x128xf32, #tpu.memory_space<hbm>>
      tpu.wait_indirect_dma semaphore(%arg17 : memref<!tpu.dma_semaphore, #tpu.memory_space<semaphore_mem>>) src(%dma_wait3A_41 : memref<10240x128xf32, #tpu.memory_space<hbm>>) dst(%arg13 : memref<128x128xf32, #tpu.memory_space<vmem>>)
      %scan3A_42 = arith.constant 0 : i32
      %scan3A_43 = arith.constant 0 : i32
      %scan3A_44 = arith.constant 128 : i32
      %scan3A_45 = arith.addi %scan3A_43, %scan3A_44 : i32
      %scan3A_46 = arith.constant 1 : i32
      scf.for %scan3A_48 = %scan3A_43 to %scan3A_45 step %scan3A_46  : i32 {
        %get3A = arith.index_cast %scan3A_48 : i32 to index
        %get3A_49 = arith.constant 0 : index
        %get3A_50 = tpu.vector_load %arg12[%get3A, %get3A_49] {strides = array<i32>} : memref<128x16xf32, #tpu.memory_space<vmem>>, vector<1x16xf32>,
        %get3A_51 = vector.shape_cast %get3A_50 : vector<1x16xf32> to vector<16xf32>
        %get3A_52 = arith.index_cast %scan3A_48 : i32 to index
        %get3A_53 = arith.constant 0 : index
        %get3A_54 = tpu.vector_load %arg13[%get3A_52, %get3A_53] {strides = array<i32>} : memref<128x128xf32, #tpu.memory_space<vmem>>, vector<1x16xf32>,
        %get3A_55 = vector.shape_cast %get3A_54 : vector<1x16xf32> to vector<16xf32>
        %mul3A_56 = arith.mulf %get3A_55, %get3A_51 : vector<16xf32>
        %swap3A = arith.index_cast %scan3A_48 : i32 to index
        %swap3A_57 = arith.constant 0 : index
        %swap3A_58 = tpu.vector_load %arg13[%swap3A, %swap3A_57] {strides = array<i32>} : memref<128x128xf32, #tpu.memory_space<vmem>>, vector<1x16xf32>,
        %swap3A_59 = vector.shape_cast %swap3A_58 : vector<1x16xf32> to vector<16xf32>
        %swap3A_60 = vector.shape_cast %mul3A_56 : vector<16xf32> to vector<1x16xf32>
        tpu.vector_store %arg13[%swap3A, %swap3A_57], %swap3A_60 {strides = array<i32>} : memref<128x128xf32, #tpu.memory_space<vmem>>, vector<1x16xf32>,
        %get3A_61 = arith.index_cast %scan3A_48 : i32 to index
        %get3A_62 = arith.constant 16 : index
        %get3A_63 = tpu.vector_load %arg13[%get3A_61, %get3A_62] {strides = array<i32>} : memref<128x128xf32, #tpu.memory_space<vmem>>, vector<1x16xf32>,
        %get3A_64 = vector.shape_cast %get3A_63 : vector<1x16xf32> to vector<16xf32>
        %mul3A_65 = arith.mulf %get3A_64, %get3A_51 : vector<16xf32>
        %swap3A_66 = arith.index_cast %scan3A_48 : i32 to index
        %swap3A_67 = arith.constant 16 : index
        %swap3A_68 = tpu.vector_load %arg13[%swap3A_66, %swap3A_67] {strides = array<i32>} : memref<128x128xf32, #tpu.memory_space<vmem>>, vector<1x16xf32>,
        %swap3A_69 = vector.shape_cast %swap3A_68 : vector<1x16xf32> to vector<16xf32>
        %swap3A_70 = vector.shape_cast %mul3A_65 : vector<16xf32> to vector<1x16xf32>
        tpu.vector_store %arg13[%swap3A_66, %swap3A_67], %swap3A_70 {strides = array<i32>} : memref<128x128xf32, #tpu.memory_space<vmem>>, vector<1x16xf32>,
        %get3A_71 = arith.index_cast %scan3A_48 : i32 to index
        %get3A_72 = arith.constant 32 : index
        %get3A_73 = tpu.vector_load %arg13[%get3A_71, %get3A_72] {strides = array<i32>} : memref<128x128xf32, #tpu.memory_space<vmem>>, vector<1x16xf32>,
        %get3A_74 = vector.shape_cast %get3A_73 : vector<1x16xf32> to vector<16xf32>
        %mul3A_75 = arith.mulf %get3A_74, %get3A_51 : vector<16xf32>
        %swap3A_76 = arith.index_cast %scan3A_48 : i32 to index
        %swap3A_77 = arith.constant 32 : index
        %swap3A_78 = tpu.vector_load %arg13[%swap3A_76, %swap3A_77] {strides = array<i32>} : memref<128x128xf32, #tpu.memory_space<vmem>>, vector<1x16xf32>,
        %swap3A_79 = vector.shape_cast %swap3A_78 : vector<1x16xf32> to vector<16xf32>
        %swap3A_80 = vector.shape_cast %mul3A_75 : vector<16xf32> to vector<1x16xf32>
        tpu.vector_store %arg13[%swap3A_76, %swap3A_77], %swap3A_80 {strides = array<i32>} : memref<128x128xf32, #tpu.memory_space<vmem>>, vector<1x16xf32>,
        %get3A_81 = arith.index_cast %scan3A_48 : i32 to index
        %get3A_82 = arith.constant 48 : index
        %get3A_83 = tpu.vector_load %arg13[%get3A_81, %get3A_82] {strides = array<i32>} : memref<128x128xf32, #tpu.memory_space<vmem>>, vector<1x16xf32>,
        %get3A_84 = vector.shape_cast %get3A_83 : vector<1x16xf32> to vector<16xf32>
        %mul3A_85 = arith.mulf %get3A_84, %get3A_51 : vector<16xf32>
        %swap3A_86 = arith.index_cast %scan3A_48 : i32 to index
        %swap3A_87 = arith.constant 48 : index
        %swap3A_88 = tpu.vector_load %arg13[%swap3A_86, %swap3A_87] {strides = array<i32>} : memref<128x128xf32, #tpu.memory_space<vmem>>, vector<1x16xf32>,
        %swap3A_89 = vector.shape_cast %swap3A_88 : vector<1x16xf32> to vector<16xf32>
        %swap3A_90 = vector.shape_cast %mul3A_85 : vector<16xf32> to vector<1x16xf32>
        tpu.vector_store %arg13[%swap3A_86, %swap3A_87], %swap3A_90 {strides = array<i32>} : memref<128x128xf32, #tpu.memory_space<vmem>>, vector<1x16xf32>,
        %get3A_91 = arith.index_cast %scan3A_48 : i32 to index
        %get3A_92 = arith.constant 64 : index
        %get3A_93 = tpu.vector_load %arg13[%get3A_91, %get3A_92] {strides = array<i32>} : memref<128x128xf32, #tpu.memory_space<vmem>>, vector<1x16xf32>,
        %get3A_94 = vector.shape_cast %get3A_93 : vector<1x16xf32> to vector<16xf32>
        %mul3A_95 = arith.mulf %get3A_94, %get3A_51 : vector<16xf32>
        %swap3A_96 = arith.index_cast %scan3A_48 : i32 to index
        %swap3A_97 = arith.constant 64 : index
        %swap3A_98 = tpu.vector_load %arg13[%swap3A_96, %swap3A_97] {strides = array<i32>} : memref<128x128xf32, #tpu.memory_space<vmem>>, vector<1x16xf32>,
        %swap3A_99 = vector.shape_cast %swap3A_98 : vector<1x16xf32> to vector<16xf32>
        %swap3A_100 = vector.shape_cast %mul3A_95 : vector<16xf32> to vector<1x16xf32>
        tpu.vector_store %arg13[%swap3A_96, %swap3A_97], %swap3A_100 {strides = array<i32>} : memref<128x128xf32, #tpu.memory_space<vmem>>, vector<1x16xf32>,
        %get3A_101 = arith.index_cast %scan3A_48 : i32 to index
        %get3A_102 = arith.constant 80 : index
        %get3A_103 = tpu.vector_load %arg13[%get3A_101, %get3A_102] {strides = array<i32>} : memref<128x128xf32, #tpu.memory_space<vmem>>, vector<1x16xf32>,
        %get3A_104 = vector.shape_cast %get3A_103 : vector<1x16xf32> to vector<16xf32>
        %mul3A_105 = arith.mulf %get3A_104, %get3A_51 : vector<16xf32>
        %swap3A_106 = arith.index_cast %scan3A_48 : i32 to index
        %swap3A_107 = arith.constant 80 : index
        %swap3A_108 = tpu.vector_load %arg13[%swap3A_106, %swap3A_107] {strides = array<i32>} : memref<128x128xf32, #tpu.memory_space<vmem>>, vector<1x16xf32>,
        %swap3A_109 = vector.shape_cast %swap3A_108 : vector<1x16xf32> to vector<16xf32>
        %swap3A_110 = vector.shape_cast %mul3A_105 : vector<16xf32> to vector<1x16xf32>
        tpu.vector_store %arg13[%swap3A_106, %swap3A_107], %swap3A_110 {strides = array<i32>} : memref<128x128xf32, #tpu.memory_space<vmem>>, vector<1x16xf32>,
        %get3A_111 = arith.index_cast %scan3A_48 : i32 to index
        %get3A_112 = arith.constant 96 : index
        %get3A_113 = tpu.vector_load %arg13[%get3A_111, %get3A_112] {strides = array<i32>} : memref<128x128xf32, #tpu.memory_space<vmem>>, vector<1x16xf32>,
        %get3A_114 = vector.shape_cast %get3A_113 : vector<1x16xf32> to vector<16xf32>
        %mul3A_115 = arith.mulf %get3A_114, %get3A_51 : vector<16xf32>
        %swap3A_116 = arith.index_cast %scan3A_48 : i32 to index
        %swap3A_117 = arith.constant 96 : index
        %swap3A_118 = tpu.vector_load %arg13[%swap3A_116, %swap3A_117] {strides = array<i32>} : memref<128x128xf32, #tpu.memory_space<vmem>>, vector<1x16xf32>,
        %swap3A_119 = vector.shape_cast %swap3A_118 : vector<1x16xf32> to vector<16xf32>
        %swap3A_120 = vector.shape_cast %mul3A_115 : vector<16xf32> to vector<1x16xf32>
        tpu.vector_store %arg13[%swap3A_116, %swap3A_117], %swap3A_120 {strides = array<i32>} : memref<128x128xf32, #tpu.memory_space<vmem>>, vector<1x16xf32>,
        %get3A_121 = arith.index_cast %scan3A_48 : i32 to index
        %get3A_122 = arith.constant 112 : index
        %get3A_123 = tpu.vector_load %arg13[%get3A_121, %get3A_122] {strides = array<i32>} : memref<128x128xf32, #tpu.memory_space<vmem>>, vector<1x16xf32>,
        %get3A_124 = vector.shape_cast %get3A_123 : vector<1x16xf32> to vector<16xf32>
        %mul3A_125 = arith.mulf %get3A_124, %get3A_51 : vector<16xf32>
        %swap3A_126 = arith.index_cast %scan3A_48 : i32 to index
        %swap3A_127 = arith.constant 112 : index
        %swap3A_128 = tpu.vector_load %arg13[%swap3A_126, %swap3A_127] {strides = array<i32>} : memref<128x128xf32, #tpu.memory_space<vmem>>, vector<1x16xf32>,
        %swap3A_129 = vector.shape_cast %swap3A_128 : vector<1x16xf32> to vector<16xf32>
        %swap3A_130 = vector.shape_cast %mul3A_125 : vector<16xf32> to vector<1x16xf32>
        tpu.vector_store %arg13[%swap3A_126, %swap3A_127], %swap3A_130 {strides = array<i32>} : memref<128x128xf32, #tpu.memory_space<vmem>>, vector<1x16xf32>,
      }
      %scan3A_47 = arith.constant 128 : i32
      "tpu.region"() ({
        %run_scoped3A = tpu.sem_alloc : memref<!tpu.dma_semaphore, #tpu.memory_space<semaphore_mem>>
        %dma_start3A_48 = arith.constant 0 : i32
        %dma_start3A_49 = arith.constant 0 : i32
        %dma_start3A_50 = tpu.memref_slice %arg15[%dma_start3A_48, %dma_start3A_49] : memref<10240x128xf32, #tpu.memory_space<vmem_shared>> -> memref<10240x128xf32, #tpu.memory_space<vmem_shared>>
        tpu.enqueue_indirect_dma source(%arg13 : memref<128x128xf32, #tpu.memory_space<vmem>>) target(%dma_start3A_50 : memref<10240x128xf32, #tpu.memory_space<vmem_shared>>) offsets(%arg10 : memref<128xi32, #tpu.memory_space<vmem>>) semaphore(%run_scoped3A : memref<!tpu.dma_semaphore, #tpu.memory_space<semaphore_mem>>) {add = true}
        %dma_wait3A_51 = arith.constant 0 : i32
        %dma_wait3A_52 = arith.constant 0 : i32
        %dma_wait3A_53 = tpu.memref_slice %arg15[%dma_wait3A_51, %dma_wait3A_52] : memref<10240x128xf32, #tpu.memory_space<vmem_shared>> -> memref<10240x128xf32, #tpu.memory_space<vmem_shared>>
        tpu.wait_indirect_dma semaphore(%run_scoped3A : memref<!tpu.dma_semaphore, #tpu.memory_space<semaphore_mem>>) src(%arg13 : memref<128x128xf32, #tpu.memory_space<vmem>>) dst(%dma_wait3A_53 : memref<10240x128xf32, #tpu.memory_space<vmem_shared>>)
        tpu.yield
      }) : () -> ()
      "tpu.region"() ({
        %run_scoped3A = tpu.sem_alloc : memref<!tpu.dma_semaphore, #tpu.memory_space<semaphore_mem>>
        %dma_start3A_48 = arith.constant 0 : i32
        %dma_start3A_49 = tpu.memref_slice %arg16[%dma_start3A_48] : memref<10240xf32, #tpu.memory_space<vmem_shared>> -> memref<10240xf32, #tpu.memory_space<vmem_shared>>
        tpu.enqueue_indirect_dma source(%arg11 : memref<128xf32, #tpu.memory_space<vmem>>) target(%dma_start3A_49 : memref<10240xf32, #tpu.memory_space<vmem_shared>>) offsets(%arg10 : memref<128xi32, #tpu.memory_space<vmem>>) semaphore(%run_scoped3A : memref<!tpu.dma_semaphore, #tpu.memory_space<semaphore_mem>>) {add = true}
        %dma_wait3A_50 = arith.constant 0 : i32
        %dma_wait3A_51 = tpu.memref_slice %arg16[%dma_wait3A_50] : memref<10240xf32, #tpu.memory_space<vmem_shared>> -> memref<10240xf32, #tpu.memory_space<vmem_shared>>
        tpu.wait_indirect_dma semaphore(%run_scoped3A : memref<!tpu.dma_semaphore, #tpu.memory_space<semaphore_mem>>) src(%arg11 : memref<128xf32, #tpu.memory_space<vmem>>) dst(%dma_wait3A_51 : memref<10240xf32, #tpu.memory_space<vmem_shared>>)
        tpu.yield
      }) : () -> ()
    }
    %scan3A_32 = arith.constant 79 : i32
    %barrier3A_33 = arith.constant 0 : index
    tpu.barrier barrier_id(%barrier3A_33)
    "tpu.region"() ({
      %run_scoped3A = tpu.sem_alloc : memref<!tpu.dma_semaphore, #tpu.memory_space<semaphore_mem>>
      %dma_start3A = arith.constant 0 : i32
      %dma_start3A_34 = tpu.memref_slice %arg7[%arg0, %mul3A_14, %dma_start3A] : memref<2x10240x128xf32, #tpu.memory_space<hbm>> -> memref<1x640x128xf32, #tpu.memory_space<hbm>>
      %dma_start3A_35 = tpu.memref_squeeze %dma_start3A_34 : memref<1x640x128xf32, #tpu.memory_space<hbm>> -> memref<640x128xf32, #tpu.memory_space<hbm>>
      %dma_start3A_36 = arith.constant 0 : i32
      %dma_start3A_37 = tpu.memref_slice %arg15[%mul3A_14, %dma_start3A_36] : memref<10240x128xf32, #tpu.memory_space<vmem_shared>> -> memref<640x128xf32, #tpu.memory_space<vmem_shared>>
      tpu.enqueue_dma source(%dma_start3A_37 : memref<640x128xf32, #tpu.memory_space<vmem_shared>>) target(%dma_start3A_35 : memref<640x128xf32, #tpu.memory_space<hbm>>) target_semaphore(%run_scoped3A : memref<!tpu.dma_semaphore, #tpu.memory_space<semaphore_mem>>)
      %dma_wait3A = arith.constant 0 : i32
      %dma_wait3A_38 = tpu.memref_slice %arg7[%arg0, %mul3A_14, %dma_wait3A] : memref<2x10240x128xf32, #tpu.memory_space<hbm>> -> memref<1x640x128xf32, #tpu.memory_space<hbm>>
      %dma_wait3A_39 = tpu.memref_squeeze %dma_wait3A_38 : memref<1x640x128xf32, #tpu.memory_space<hbm>> -> memref<640x128xf32, #tpu.memory_space<hbm>>
      %dma_wait3A_40 = arith.constant 0 : i32
      %dma_wait3A_41 = tpu.memref_slice %arg15[%mul3A_14, %dma_wait3A_40] : memref<10240x128xf32, #tpu.memory_space<vmem_shared>> -> memref<640x128xf32, #tpu.memory_space<vmem_shared>>
      tpu.wait_dma2 semaphore(%run_scoped3A : memref<!tpu.dma_semaphore, #tpu.memory_space<semaphore_mem>>) src(%dma_wait3A_41 : memref<640x128xf32, #tpu.memory_space<vmem_shared>>) dst(%dma_wait3A_39 : memref<640x128xf32, #tpu.memory_space<hbm>>)
      tpu.yield
    }) : () -> ()
    "tpu.region"() ({
      %run_scoped3A = tpu.sem_alloc : memref<!tpu.dma_semaphore, #tpu.memory_space<semaphore_mem>>
      %dma_start3A = tpu.memref_slice %arg8[%arg0, %mul3A_14] : memref<2x10240xf32, #tpu.memory_space<hbm>> -> memref<1x640xf32, #tpu.memory_space<hbm>>
      %dma_start3A_34 = tpu.memref_squeeze %dma_start3A : memref<1x640xf32, #tpu.memory_space<hbm>> -> memref<640xf32, #tpu.memory_space<hbm>>
      %dma_start3A_35 = tpu.memref_slice %arg16[%mul3A_14] : memref<10240xf32, #tpu.memory_space<vmem_shared>> -> memref<640xf32, #tpu.memory_space<vmem_shared>>
      tpu.enqueue_dma source(%dma_start3A_35 : memref<640xf32, #tpu.memory_space<vmem_shared>>) target(%dma_start3A_34 : memref<640xf32, #tpu.memory_space<hbm>>) target_semaphore(%run_scoped3A : memref<!tpu.dma_semaphore, #tpu.memory_space<semaphore_mem>>)
      %dma_wait3A = tpu.memref_slice %arg8[%arg0, %mul3A_14] : memref<2x10240xf32, #tpu.memory_space<hbm>> -> memref<1x640xf32, #tpu.memory_space<hbm>>
      %dma_wait3A_36 = tpu.memref_squeeze %dma_wait3A : memref<1x640xf32, #tpu.memory_space<hbm>> -> memref<640xf32, #tpu.memory_space<hbm>>
      %dma_wait3A_37 = tpu.memref_slice %arg16[%mul3A_14] : memref<10240xf32, #tpu.memory_space<vmem_shared>> -> memref<640xf32, #tpu.memory_space<vmem_shared>>
      tpu.wait_dma2 semaphore(%run_scoped3A : memref<!tpu.dma_semaphore, #tpu.memory_space<semaphore_mem>>) src(%dma_wait3A_37 : memref<640xf32, #tpu.memory_space<vmem_shared>>) dst(%dma_wait3A_36 : memref<640xf32, #tpu.memory_space<hbm>>)
      tpu.yield
    }) : () -> ()
    return
  }
}

module attributes {stable_mosaic.version = 14 : i64} {
  func.func @_zn_body(%arg0: i32, %arg1: memref<1024x128xf32, #tpu.memory_space<vmem>>, %arg2: memref<128x128xf32, #tpu.memory_space<vmem>>, %arg3: memref<1x128xf32, #tpu.memory_space<vmem>>, %arg4: memref<1024x128xf32, #tpu.memory_space<vmem>>) attributes {dimension_semantics = [#tpu.dimension_semantics<arbitrary>], iteration_bounds = array<i64: 10>, scalar_prefetch = 0 : i64, scratch_operands = 0 : i64, tpu.core_type = #tpu.core_type<tc>, window_params = [{transform_indices = @transform_0, window_bounds = array<i64: 1024, 128>}, {pipeline_mode = #tpu.pipeline_mode<synchronous>, transform_indices = @transform_1, window_bounds = array<i64: 128, 128>}, {pipeline_mode = #tpu.pipeline_mode<synchronous>, transform_indices = @transform_2, window_bounds = array<i64: 1, 128>}, {transform_indices = @transform_3, window_bounds = array<i64: 1024, 128>}]} {
    %get3A = arith.constant 0 : index
    %get3A_0 = arith.constant 0 : index
    %get3A_1 = vector.load %arg1[%get3A, %get3A_0] : memref<1024x128xf32, #tpu.memory_space<vmem>>, vector<1024x128xf32>
    %get3A_2 = arith.constant 0 : index
    %get3A_3 = arith.constant 0 : index
    %get3A_4 = vector.load %arg2[%get3A_2, %get3A_3] : memref<128x128xf32, #tpu.memory_space<vmem>>, vector<128x128xf32>
    %dot_general3A = arith.constant dense<0.000000e+00> : vector<1024x128xf32>
    %dot_general3A_5 = tpu.matmul %get3A_1, %get3A_4, %dot_general3A {dimension_numbers = #tpu.dot_dimension_numbers<[1], [0], [0], [1], [0, 0, 1, 1], [], []>, transpose_lhs_hint = false} : vector<1024x128xf32>, vector<128x128xf32>, vector<1024x128xf32> -> vector<1024x128xf32>
    %get3A_6 = arith.constant 0 : index
    %get3A_7 = arith.constant 0 : index
    %get3A_8 = vector.load %arg3[%get3A_6, %get3A_7] : memref<1x128xf32, #tpu.memory_space<vmem>>, vector<1x128xf32>
    %add3A = vector.broadcast %get3A_8 : vector<1x128xf32> to vector<1024x128xf32>
    %add3A_9 = arith.addf %dot_general3A_5, %add3A : vector<1024x128xf32>
    %max3A = arith.constant 0.000000e+00 : f32
    %max3A_10 = vector.broadcast %max3A : f32 to vector<1024x128xf32>
    %max3A_11 = arith.maximumf %add3A_9, %max3A_10 : vector<1024x128xf32>
    %swap3A = arith.constant 0 : index
    %swap3A_12 = arith.constant 0 : index
    %swap3A_13 = vector.load %arg4[%swap3A, %swap3A_12] : memref<1024x128xf32, #tpu.memory_space<vmem>>, vector<1024x128xf32>
    tpu.vector_store %arg4[%swap3A, %swap3A_12], %max3A_11 {strides = array<i32>} : memref<1024x128xf32, #tpu.memory_space<vmem>>, vector<1024x128xf32>,
    return
  }
  func.func @transform_0(%arg0: i32) -> (i32, i32) {
    %c0_i32 = arith.constant 0 : i32
    %c0_i32_0 = arith.constant 0 : i32
    return %arg0, %c0_i32 : i32, i32
  }
  func.func @transform_1(%arg0: i32) -> (i32, i32) {
    %c0_i32 = arith.constant 0 : i32
    %c0_i32_0 = arith.constant 0 : i32
    %c0_i32_1 = arith.constant 0 : i32
    return %c0_i32, %c0_i32_0 : i32, i32
  }
  func.func @transform_2(%arg0: i32) -> (i32, i32) {
    %c0_i32 = arith.constant 0 : i32
    %c0_i32_0 = arith.constant 0 : i32
    %c0_i32_1 = arith.constant 0 : i32
    return %c0_i32, %c0_i32_0 : i32, i32
  }
  func.func @transform_3(%arg0: i32) -> (i32, i32) {
    %c0_i32 = arith.constant 0 : i32
    %c0_i32_0 = arith.constant 0 : i32
    return %arg0, %c0_i32 : i32, i32
  }
}

module attributes {stable_mosaic.version = 14 : i64} {
  func.func @_out_body(%arg0: i32, %arg1: memref<1024x128xf32, #tpu.memory_space<vmem>>, %arg2: memref<2x1024x128xf32, #tpu.memory_space<vmem>>, %arg3: memref<2x1024x1xf32, #tpu.memory_space<vmem>>, %arg4: memref<256x128xf32, #tpu.memory_space<vmem>>, %arg5: memref<1x128xf32, #tpu.memory_space<vmem>>, %arg6: memref<1024x128xf32, #tpu.memory_space<vmem>>) attributes {dimension_semantics = [#tpu.dimension_semantics<arbitrary>], iteration_bounds = array<i64: 10>, scalar_prefetch = 0 : i64, scratch_operands = 0 : i64, tpu.core_type = #tpu.core_type<tc>, window_params = [{transform_indices = @transform_0, window_bounds = array<i64: 1024, 128>}, {transform_indices = @transform_1, window_bounds = array<i64: 2, 1024, 128>}, {transform_indices = @transform_2, window_bounds = array<i64: 2, 1024, 1>}, {pipeline_mode = #tpu.pipeline_mode<synchronous>, transform_indices = @transform_3, window_bounds = array<i64: 256, 128>}, {pipeline_mode = #tpu.pipeline_mode<synchronous>, transform_indices = @transform_4, window_bounds = array<i64: 1, 128>}, {transform_indices = @transform_5, window_bounds = array<i64: 1024, 128>}]} {
    %get3A = arith.constant 0 : index
    %get3A_0 = arith.constant 0 : index
    %get3A_1 = arith.constant 0 : index
    %get3A_2 = vector.load %arg3[%get3A, %get3A_0, %get3A_1] : memref<2x1024x1xf32, #tpu.memory_space<vmem>>, vector<1x1024x1xf32>
    %get3A_3 = vector.shape_cast %get3A_2 : vector<1x1024x1xf32> to vector<1024x1xf32>
    %get3A_4 = arith.constant 1 : index
    %get3A_5 = arith.constant 0 : index
    %get3A_6 = arith.constant 0 : index
    %get3A_7 = vector.load %arg3[%get3A_4, %get3A_5, %get3A_6] : memref<2x1024x1xf32, #tpu.memory_space<vmem>>, vector<1x1024x1xf32>
    %get3A_8 = vector.shape_cast %get3A_7 : vector<1x1024x1xf32> to vector<1024x1xf32>
    %add3A = arith.addf %get3A_3, %get3A_8 : vector<1024x1xf32>
    %add3A_9 = arith.constant 1.000000e+00 : f32
    %add3A_10 = vector.broadcast %add3A_9 : f32 to vector<1024x1xf32>
    %add3A_11 = arith.addf %add3A, %add3A_10 : vector<1024x1xf32>
    %get3A_12 = arith.constant 0 : index
    %get3A_13 = arith.constant 0 : index
    %get3A_14 = arith.constant 0 : index
    %get3A_15 = vector.load %arg2[%get3A_12, %get3A_13, %get3A_14] : memref<2x1024x128xf32, #tpu.memory_space<vmem>>, vector<1x1024x128xf32>
    %get3A_16 = vector.shape_cast %get3A_15 : vector<1x1024x128xf32> to vector<1024x128xf32>
    %get3A_17 = arith.constant 1 : index
    %get3A_18 = arith.constant 0 : index
    %get3A_19 = arith.constant 0 : index
    %get3A_20 = vector.load %arg2[%get3A_17, %get3A_18, %get3A_19] : memref<2x1024x128xf32, #tpu.memory_space<vmem>>, vector<1x1024x128xf32>
    %get3A_21 = vector.shape_cast %get3A_20 : vector<1x1024x128xf32> to vector<1024x128xf32>
    %add3A_22 = arith.addf %get3A_16, %get3A_21 : vector<1024x128xf32>
    %div3A = vector.broadcast %add3A_11 : vector<1024x1xf32> to vector<1024x128xf32>
    %div3A_23 = arith.divf %add3A_22, %div3A : vector<1024x128xf32>
    %get3A_24 = arith.constant 0 : index
    %get3A_25 = arith.constant 0 : index
    %get3A_26 = vector.load %arg1[%get3A_24, %get3A_25] : memref<1024x128xf32, #tpu.memory_space<vmem>>, vector<1024x128xf32>
    %get3A_27 = arith.constant 0 : index
    %get3A_28 = arith.constant 0 : index
    %get3A_29 = vector.load %arg4[%get3A_27, %get3A_28] : memref<256x128xf32, #tpu.memory_space<vmem>>, vector<128x128xf32>
    %dot_general3A = arith.constant dense<0.000000e+00> : vector<1024x128xf32>
    %dot_general3A_30 = tpu.matmul %get3A_26, %get3A_29, %dot_general3A {dimension_numbers = #tpu.dot_dimension_numbers<[1], [0], [0], [1], [0, 0, 1, 1], [], []>, transpose_lhs_hint = false} : vector<1024x128xf32>, vector<128x128xf32>, vector<1024x128xf32> -> vector<1024x128xf32>
    %get3A_31 = arith.constant 128 : index
    %get3A_32 = arith.constant 0 : index
    %get3A_33 = vector.load %arg4[%get3A_31, %get3A_32] : memref<256x128xf32, #tpu.memory_space<vmem>>, vector<128x128xf32>
    %dot_general3A_34 = arith.constant dense<0.000000e+00> : vector<1024x128xf32>
    %dot_general3A_35 = tpu.matmul %div3A_23, %get3A_33, %dot_general3A_34 {dimension_numbers = #tpu.dot_dimension_numbers<[1], [0], [0], [1], [0, 0, 1, 1], [], []>, transpose_lhs_hint = false} : vector<1024x128xf32>, vector<128x128xf32>, vector<1024x128xf32> -> vector<1024x128xf32>
    %add3A_36 = arith.addf %dot_general3A_30, %dot_general3A_35 : vector<1024x128xf32>
    %get3A_37 = arith.constant 0 : index
    %get3A_38 = arith.constant 0 : index
    %get3A_39 = vector.load %arg5[%get3A_37, %get3A_38] : memref<1x128xf32, #tpu.memory_space<vmem>>, vector<1x128xf32>
    %add3A_40 = vector.broadcast %get3A_39 : vector<1x128xf32> to vector<1024x128xf32>
    %add3A_41 = arith.addf %add3A_36, %add3A_40 : vector<1024x128xf32>
    %max3A = arith.constant 0.000000e+00 : f32
    %max3A_42 = vector.broadcast %max3A : f32 to vector<1024x128xf32>
    %max3A_43 = arith.maximumf %add3A_41, %max3A_42 : vector<1024x128xf32>
    %mul3A = arith.mulf %max3A_43, %max3A_43 : vector<1024x128xf32>
    %reduce_sum3A = arith.constant dense<0.000000e+00> : vector<1024xf32>
    %reduce_sum3A_44 = vector.multi_reduction <add>, %mul3A, %reduce_sum3A [1] : vector<1024x128xf32> to vector<1024xf32>
    %broadcast_in_dim3A = vector.shape_cast %reduce_sum3A_44 : vector<1024xf32> to vector<1024x1xf32>
    %sqrt3A = math.sqrt %broadcast_in_dim3A : vector<1024x1xf32>
    %max3A_45 = arith.constant 9.99999996E-13 : f32
    %max3A_46 = vector.broadcast %max3A_45 : f32 to vector<1024x1xf32>
    %max3A_47 = arith.maximumf %sqrt3A, %max3A_46 : vector<1024x1xf32>
    %div3A_48 = vector.broadcast %max3A_47 : vector<1024x1xf32> to vector<1024x128xf32>
    %div3A_49 = arith.divf %max3A_43, %div3A_48 : vector<1024x128xf32>
    %swap3A = arith.constant 0 : index
    %swap3A_50 = arith.constant 0 : index
    %swap3A_51 = vector.load %arg6[%swap3A, %swap3A_50] : memref<1024x128xf32, #tpu.memory_space<vmem>>, vector<1024x128xf32>
    tpu.vector_store %arg6[%swap3A, %swap3A_50], %div3A_49 {strides = array<i32>} : memref<1024x128xf32, #tpu.memory_space<vmem>>, vector<1024x128xf32>,
    return
  }
  func.func @transform_0(%arg0: i32) -> (i32, i32) {
    %c0_i32 = arith.constant 0 : i32
    %c0_i32_0 = arith.constant 0 : i32
    return %arg0, %c0_i32 : i32, i32
  }
  func.func @transform_1(%arg0: i32) -> (i32, i32, i32) {
    %c0_i32 = arith.constant 0 : i32
    %c0_i32_0 = arith.constant 0 : i32
    %c0_i32_1 = arith.constant 0 : i32
    return %c0_i32, %arg0, %c0_i32_0 : i32, i32, i32
  }
  func.func @transform_2(%arg0: i32) -> (i32, i32, i32) {
    %c0_i32 = arith.constant 0 : i32
    %c0_i32_0 = arith.constant 0 : i32
    %c0_i32_1 = arith.constant 0 : i32
    return %c0_i32, %arg0, %c0_i32_0 : i32, i32, i32
  }
  func.func @transform_3(%arg0: i32) -> (i32, i32) {
    %c0_i32 = arith.constant 0 : i32
    %c0_i32_0 = arith.constant 0 : i32
    %c0_i32_1 = arith.constant 0 : i32
    return %c0_i32, %c0_i32_0 : i32, i32
  }
  func.func @transform_4(%arg0: i32) -> (i32, i32) {
    %c0_i32 = arith.constant 0 : i32
    %c0_i32_0 = arith.constant 0 : i32
    %c0_i32_1 = arith.constant 0 : i32
    return %c0_i32, %c0_i32_0 : i32, i32
  }
  func.func @transform_5(%arg0: i32) -> (i32, i32) {
    %c0_i32 = arith.constant 0 : i32
    %c0_i32_0 = arith.constant 0 : i32
    return %arg0, %c0_i32 : i32, i32
  }
}

</mosaic_0001>

<sc_bundles>
// kernel: kernel.5.cloned.1.call-start
scs
__scs_entry_jumppad:
0x0: {  	(pc) =	sbr.rel $0x88, $3  }
0x1: {  	(tag) =	ssettag $0x0;
	lr =	simm.s32 $0x1  }
0x2: {  	[smem:$0x3F9A] =	sst lr;
	_ =	strace $0xD0000000  }
0x3: {  	_ = 	snop  }
0x4: {  	_ = 	snop  }
0x5: {  	_ = 	snop  }
0x6: {  	_ = 	snop  }
0x7: {  	_ = 	snop  }
__scs_overlays_trampoline_lowered:
0x8: {  	[smem:$0x3FA9] =	sst s0  }
0x9: {  	[smem:$0x3FAA] =	sst s1  }
0xa: {  	[smem:$0x3FAB] =	sst s2  }
0xb: {  	[smem:$0x3FAC] =	sst s3  }
0xc: {  	[smem:$0x3FAD] =	sst s4  }
0xd: {  	[smem:$0x3FAE] =	sst s5  }
0xe: {  	[smem:$0x3FAF] =	sst s6  }
0xf: {  	[smem:$0x3FB0] =	sst s7  }
0x10: {  	[smem:$0x3FB1] =	sst s8  }
0x11: {  	[smem:$0x3FB2] =	sst s9;
	s0 =	simm.s32 @!p0 $0x0  }
0x12: {  	s1 =	sld [smem:$0x3F98];
	s0 =	simm.s32 @p0 $0x1  }
0x13: {  	[smem:$0x3FB3] =	sst s0;
	s0 =	simm.s32 @!p1 $0x0  }
0x14: {  	s2 =	sld [smem:$0x3F97];
	s0 =	simm.s32 @p1 $0x1  }
0x15: {  	[smem:$0x3FB4] =	sst s0;
	s0 =	simm.s32 @!p2 $0x0  }
0x16: {  	s3 =	sld [smem:$0x3FDB];
	s0 =	simm.s32 @p2 $0x1  }
0x17: {  	s4 =	simm.s32 $0x1BF5;
	[smem:$0x3FB6] =	sst s0  }
0x18: {  	s0 =	sld [smem:$0x3F99];
	_ =	swait.ge [sflag:s4], $0x0  }
0x19: {  	s7 =	sld [smem:$0x3F9A]  }
0x1a: {  	s8 =	sadd.s32 $0xFFFFE003, lr  }
0x1b: {  	s9 =	sadd.s32 $0xFFFFFEF7, lr;
	s5 =	simm.s32 $0xFFFFFFFF;
	p2 =	slt.u32 s8, $0xFFFFF086  }
0x1c: {  	p1 =	slt.u32 s9, $0xF7A;
	s5 =	simm.s32 @!p2 $0x0  }
0x1d: {  	s5 =	simm.s32 @p1 $0x1;
	p0 =	seq.s32 s7, s2  }
0x1e: {  	s7 =	smul.u32 @!p0 $0xF7A, s2;
	p2 =	seq.s32 @!p0 s5, $0x0  }
0x1f: {  	s9 =	smul.u32 $0xF7A, s1;
	s8 =	simm.s32 @!p0 $0x1BF5;
	p2 =	por !p2, p0  }
0x20: {  	[sflag:s8] =	ssyncset.s32 @!p0 $0xFFFFF086;
	s6 =	sadd.s32 @!p0 s3, s7;
	s7 =	simm.s32 @!p0 $0x108  }
0x21: {  	s3 =	sadd.s32 s3, s9;
	s6 =	sadd.s32 @!p0 $0x88, s6;
	s7 =	simm.s32 @p2 $0x1082  }
0x22: {  	[simem:s7], [sflag:s8] =	dma.local @!p0 [hbm:s6], $0xF7A  }
0x23: {  	s9 =	sor.u32 $0xD0000000, s2;
	s6 =	simm.s32 $0x108;
	_ =	swait.ge @!p0 [sflag:s8], $0x0  }
0x24: {  	s3 =	sadd.s32 $0x88, s3;
	s6 =	simm.s32 @!p1 $0x1082;
	[sflag:s4] =	ssyncset.s32 $0xFFFFF086  }
0x25: {  	[simem:s6], [sflag:s4] =	dma.local [hbm:s3], $0xF7A  }
0x26: {  	[smem:$0x3F9A] =	sst s1;
	(tag) =	ssettag s2;
	_ =	strace s9  }
0x27: {  	s1 =	sld [smem:$0x3FAA]  }
0x28: {  	s2 =	sld [smem:$0x3FAB]  }
0x29: {  	s4 =	sld [smem:$0x3FAD]  }
0x2a: {  	p0 =	seq.s32 s5, $0x0;
	s5 =	sld [smem:$0x3FAE]  }
0x2b: {  	s6 =	sld [smem:$0x3FAF]  }
0x2c: {  	s7 =	sld [smem:$0x3FB0]  }
0x2d: {  	s3 =	simm.s32 $0x108;
	s8 =	sld [smem:$0x3FB1]  }
0x2e: {  	s3 =	simm.s32 @!p0 $0x1082;
	s9 =	sld [smem:$0x3FB2]  }
0x2f: {  	lr =	sadd.s32 s0, s3;
	s0 =	sld [smem:$0x3FA9]  }
0x30: {  	s3 =	sld [smem:$0x3FAC]  }
0x31: {  	[smem:$0x3FB5] =	sst s10  }
0x32: {  	s10 =	sld [smem:$0x3FB3];
	_ =	sdelay $0x3  }
0x33: {  	p0 =	seq.s32 s10, $0x1;
	s10 =	sld [smem:$0x3FB5];
	_ =	sdelay $0x3  }
0x34: {  	[smem:$0x3FB5] =	sst s10  }
0x35: {  	s10 =	sld [smem:$0x3FB4];
	_ =	sdelay $0x3  }
0x36: {  	p1 =	seq.s32 s10, $0x1;
	s10 =	sld [smem:$0x3FB5];
	_ =	sdelay $0x3  }
0x37: {  	[smem:$0x3FB5] =	sst s10  }
0x38: {  	s10 =	sld [smem:$0x3FB6]  }
0x39: {  	_ = 	snop;
	(pc) =	sbr.ind lr, $3  }
0x3a: {  	_ = 	snop  }
0x3b: {  	_ = 	snop  }
0x3c: {  	p2 =	seq.s32 s10, $0x1;
	s10 =	sld [smem:$0x3FB5]  }
0x3d: {  	_ =	shalt  }
0x3e: {  	_ =	shalt  }
0x3f: {  	_ =	shalt  }
0x40: {  	_ =	shalt  }
0x41: {  	_ =	shalt  }
0x42: {  	_ =	shalt  }
0x43: {  	_ =	shalt  }
0x44: {  	_ =	shalt  }
0x45: {  	_ =	shalt  }
0x46: {  	_ =	shalt  }
0x47: {  	_ =	shalt  }
0x48: {  	_ =	shalt  }
0x49: {  	_ =	shalt  }
0x4a: {  	_ =	shalt  }
0x4b: {  	_ =	shalt  }
0x4c: {  	_ =	shalt  }
0x4d: {  	_ =	shalt  }
0x4e: {  	_ =	shalt  }
0x4f: {  	_ =	shalt  }
0x50: {  	_ =	shalt  }
0x51: {  	_ =	shalt  }
0x52: {  	_ =	shalt  }
0x53: {  	_ =	shalt  }
0x54: {  	_ =	shalt  }
0x55: {  	_ =	shalt  }
0x56: {  	_ =	shalt  }
0x57: {  	_ =	shalt  }
0x58: {  	_ =	shalt  }
0x59: {  	_ =	shalt  }
0x5a: {  	_ =	shalt  }
0x5b: {  	_ =	shalt  }
0x5c: {  	_ =	shalt  }
0x5d: {  	_ =	shalt  }
0x5e: {  	_ =	shalt  }
0x5f: {  	_ =	shalt  }
0x60: {  	_ =	shalt  }
0x61: {  	_ =	shalt  }
0x62: {  	_ =	shalt  }
0x63: {  	_ =	shalt  }
0x64: {  	_ =	shalt  }
0x65: {  	_ =	shalt  }
0x66: {  	_ =	shalt  }
0x67: {  	_ =	shalt  }
0x68: {  	_ =	shalt  }
0x69: {  	_ =	shalt  }
0x6a: {  	_ =	shalt  }
0x6b: {  	_ =	shalt  }
0x6c: {  	_ =	shalt  }
0x6d: {  	_ =	shalt  }
0x6e: {  	_ =	shalt  }
0x6f: {  	_ =	shalt  }
0x70: {  	_ =	shalt  }
0x71: {  	_ =	shalt  }
0x72: {  	_ =	shalt  }
0x73: {  	_ =	shalt  }
0x74: {  	_ =	shalt  }
0x75: {  	_ =	shalt  }
0x76: {  	_ =	shalt  }
0x77: {  	_ =	shalt  }
0x78: {  	_ =	shalt  }
0x79: {  	_ =	shalt  }
0x7a: {  	_ =	shalt  }
0x7b: {  	_ =	shalt  }
0x7c: {  	_ =	shalt  }
0x7d: {  	_ =	shalt  }
0x7e: {  	_ =	shalt  }
0x7f: {  	_ =	shalt  }
0x80: {  	_ =	shalt  }
0x81: {  	_ =	shalt  }
0x82: {  	_ =	shalt  }
0x83: {  	_ =	shalt  }
0x84: {  	_ =	shalt  }
0x85: {  	_ =	shalt  }
0x86: {  	_ =	shalt  }
0x87: {  	_ =	shalt  }
.Lfunc_end0:
.L_simem_size_0:
called_computation_lowered:
.L_overlay_start_0:
0x88: {  	s2 =	sld [smem:$0x3FD9]  }
0x89: {  	s3 =	sld [smem:$0x3FFE];
	_ =	sdelay $0x1  }
0x8a: {  	s1 =	srdreg.scid  }
0x8b: {  	s0 =	sand.u32 $0x1, s1  }
0x8c: {  	s17 =	sshll.u32 s0, $0xA;
	s2 =	sadd.s32 s3, s2  }
0x8d: {  	s2 =	sadd.s32 s2, s17  }
0x8e: {  	[smem:$0x3FC1] =	sst s2  }
0x8f: {  	_ = 	snop  }
0x90: {  	s2 =	sld [smem:$0x3FD0];
	(tm) =	ssettm $0x1  }
0x91: {  	s18 =	sld [smem:$0x3FFB];
	_ =	sdelay $0x3  }
0x92: {  	_ =	strace s18  }
0x93: {  	s3 =	sld [smem:$0x3FFC];
	_ =	sdelay $0x3  }
0x94: {  	_ =	strace s3  }
0x95: {  	s3 =	sld [smem:$0x3FFD];
	_ =	sdelay $0x3  }
0x96: {  	_ =	strace s3  }
0x97: {  	_ =	strace $0x8FFFFFFF  }
0x98: {  	s19 =	sld [smem:$0x3FDB];
	_ =	sdelay $0x1  }
0x99: {  	s4 =	simm.s32 $_scs_section_size  }
0x9a: {  	s5 =	simm.s32 $_size__tile_overlayer_lowered;
	s6 =	simm.s32 $_tile_overlayer_lowered  }
0x9b: {  	s22 =	simm.s32 $0x1BFF;
	s21 =	sshll.u32 s6, $0x1;
	s3 =	sadd.s32 s4, s19  }
0x9c: {  	s7 =	simm.s32 $0x0;
	s20 =	sshll.u32 s5, $0x1;
	s5 =	sadd.s32 s21, s3  }
0x9d: {  	[timem:s7], [sflag:s22] =	dma.local [hbm:s5], s20  }
0x9e: {  	_ =	swait.ge [sflag:s22], s20  }
0x9f: {  	s4 =	ssub.s32 $0x0, s20;
	[sflag:s22] =	ssyncset.done $0x0  }
0xa0: {  	[sflag:s22] =	ssyncadd.s32 s4;
	_ =	sdelay $0x1  }
0xa1: {  	s23 =	simm.s32 $0x1B8B  }
0xa2: {  	_ =	swait.ge [sflag:s23], $0x1  }
0xa3: {  	[sflag:s23] =	ssyncset.done $0x0  }
0xa4: {  	s25 =	simm.s32 $0x1B8E;
	s24 =	sld [smem:$0x3FFE];
	[sflag:s23] =	ssyncadd.s32 $0xFFFFFFFF  }
0xa5: {  	s26 =	simm.s32 $execute0_lowered;
	[smem:$0x3FD2] =	sst s25  }
0xa6: {  	s5 =	sshll.u32 s26, $0x1;
	_ =	strace $0x80000046;
	[dreg:$0x1] =	wrdreg $0xFFFFFFFF  }
0xa7: {  	s28 =	simm.s32 $_size_execute0_lowered;
	s3 =	sadd.s32 s3, s5;
	[dreg:$0x0] =	wrdreg $0x0  }
0xa8: {  	s5 =	sshll.u32 s28, $0x1;
	[dreg:$0x2] =	wrdreg s3  }
0xa9: {  	[dreg:$0x3] =	wrdreg s5  }
0xaa: {  	[dreg:$0x4] =	wrdreg $0xC0  }
0xab: {  	_ =	task [dreg:s7], $0x5FFFF  }
0xac: {  	[dreg:$0x1] =	wrdreg $0xFFFFFFFF  }
0xad: {  	[dreg:$0x0] =	wrdreg $0x60  }
0xae: {  	[dreg:$0x2] =	wrdreg s24  }
0xaf: {  	[dreg:$0x3] =	wrdreg s2  }
0xb0: {  	[dreg:$0x4] =	wrdreg $0x84000  }
0xb1: {  	[dreg:$0x5] =	wrdreg $0x1C4000  }
0xb2: {  	[dreg:$0x6] =	wrdreg $0x9  }
0xb3: {  	_ =	task.clear_ibuf [dreg:s7], $0x7FFFF;
	_ =	strace $0x90000046  }
0xb4: {  	s29 =	simm.s32 $0x9;
	_ =	strace $0x80000048  }
0xb5: {  	_ =	swait.ge [sflag:s29], $0x1  }
0xb6: {  	[sflag:s29] =	ssyncadd.s32 $0xFFFFFFFF  }
0xb7: {  	_ =	strace $0x90000048  }
0xb8: {  	_ =	sfence  }
0xb9: {  	s30 =	sld [smem:$0x0];
	_ =	sdelay $0x2  }
0xba: {  	s31 =	sshll.u32 s1, $0xD;
	s1 =	sshrl.u32 s1, $0x2  }
0xbb: {  	s3 =	sand.u32 $0x4000, s31;
	s1 =	sadd.s32 s1, s30  }
0xbc: {  	s0 =	sor.u32 s3, s0;
	s1 =	sshll.u32 s1, $0x11  }
0xbd: {  	s0 =	sor.u32 s1, s0  }
0xbe: {  	s0 =	sadd.s32 $0x8F2B, s0  }
0xbf: {  	[sflag:s0] =	ssyncadd.remote.s32 $0x1  }
0xc0: {  	_ =	sfence.sel $0xFFFF  }
0xc1: {  	[dreg:$0x0] =	wrdreg $0xFFFFFFFF;
	(pc) =	sbr.abs _section_cstart, $3  }
0xc2: {  	[dreg:$0x1] =	wrdreg $0xFFFFFFFF  }
0xc3: {  	_ =	task.clear_ibuf [dreg:s7], $0x2FFFF;
	_ =	strace $0x9FFFFFFF  }
0xc4: {  	(tm) =	ssettm $0x7FFFFFFF  }
0xc5: {  	_ =	shalt  }
tec
execute0_lowered:
.L_overlay_start_1:
0x0: {  	(tag) =	ssettag $0x1  }
0x1: {  	s0 =	rddreg [dreg:$0x0]  }
0x2: {  	s1 =	rddreg [dreg:$0x1]  }
0x3: {  	s2 =	rddreg [dreg:$0x2]  }
0x4: {  	s3 =	rddreg [dreg:$0x3]  }
0x5: {  	s5 =	simm.s32 $0x0;
	s4 =	srdreg.scid;
	s22 =	stileid.u32  }
0x6: {  	s20 =	simm.s32 $0x4180;
	s21 =	simm.s32 $0x2;
	s28 =	simm.s32 $0x20  }
0x7: {  	s29 =	simm.s32 $0x10;
	s30 =	simm.s32 $0x0;
	s12 =	smul.u32 $0x14000, s22  }
0x8: {  	[smem:$0x7FF] =	sst s5;
	s10 =	sand.u32 $0x1, s4;
	s13 =	smul.u32 $0x500, s22  }
0x9: {  	s6 =	sadd.s32 $0x3D600, s0;
	s7 =	sadd.s32 $0x33800, s0;
	s24 =	smul.u32 $0x50000, s22  }
0xa: {  	s8 =	sadd.s32 $0x1A00, s0;
	s9 =	sadd.s32 $0x65600, s0;
	s15 =	smul.u32 $0xA00, s22  }
0xb: {  	s11 =	smul.u32 $0x140000, s10;
	_ =	strace $0x80000047;
	s26 =	ssub.s32 $0x2, s10  }
0xc: {  	s23 =	sshll.u32 s10, $0x7;
	s14 =	sshll.u32 s10, $0x4;
	s31 =	sshrl.u32 s26, $0x1  }
0xd: {  	s16 =	sor.u32 s22, s14;
	s15 =	sshrl.u32 s15, $0x2;
	s11 =	sadd.s32 s12, s11  }
0xe: {  	s12 =	sor.u32 s23, s13;
	s13 =	sshrl.u32 s24, $0x2;
	s19 =	ssub.s32 s26, s31  }
0xf: {  	s15 =	sadd.s32 s15, s3;
	s16 =	smul.u32 $0x2780, s16;
	s23 =	simm.s32 $0x80  }
0x10: {  	s24 =	simm.s32 $0x100;
	s26 =	simm.s32 $0x1;
	s11 =	sshrl.u32 s11, $0x3  }
0x11: {  	s25 =	sshrl.u32 s12, $0x3;
	s10 =	sadd.s32 s13, s2;
	s19 =	smax.u32 s19, $0x1  }
0x12: {  	s17 =	sadd.s32 s11, s0;
	s0 =	sadd.s32 s25, s0;
	s11 =	sadd.s32 $0x4000, s10  }
0x13: {  	s12 =	sadd.s32 $0x8000, s10;
	s13 =	sadd.s32 $0xC000, s10;
	s14 =	sadd.s32 $0x10000, s10  }
0x14: {  	v0 =	vimm.f32 $0.0e+00;
	s25 =	simm.s32 $0x180;
	s17 =	sadd.s32 $0x556000, s17;
	s18 =	sadd.s32 $0x555600, s0  }
.LBB2_1:
0x15: {  	s0 =	simm.s32 $0x0;
	s22 =	simm.s32 $0x200  }
.LBB2_2:
0x16: {  	p0 =	sne.s32 s22, $0xFE00;
	[tilespmem:s0+$0x41F0] =	vst v0  }
0x17: {  	[tilespmem:s0+$0x4180] =	vst v0  }
0x18: {  	[tilespmem:s0+$0x4190] =	vst v0  }
.Ltmp0:
0x19: {  	[tilespmem:s0+$0x41A0] =	vst v0;
	(pc) =	sbr.rel @p0 .LBB2_2-.Ltmp0, $4  }
0x1a: {  	[tilespmem:s0+$0x41B0] =	vst v0  }
0x1b: {  	[tilespmem:s0+$0x41C0] =	vst v0  }
0x1c: {  	[tilespmem:s0+$0x41D0] =	vst v0  }
0x1d: {  	[tilespmem:s0+$0x41E0] =	vst v0;
	s0 =	sshra.s32 s22, $0x2;
	s22 =	sadd.s32 $0x200, s22  }
0x1e: {  	[tilespmem:s0+$0x41F0] =	vst v0  }
0x1f: {  	[tilespmem:s0+$0x4180] =	vst v0  }
0x20: {  	[tilespmem:s0+$0x4190] =	vst v0  }
0x21: {  	[tilespmem:s0+$0x41A0] =	vst v0  }
0x22: {  	[tilespmem:s0+$0x41B0] =	vst v0  }
0x23: {  	[tilespmem:s0+$0x41C0] =	vst v0  }
0x24: {  	[tilespmem:s0+$0x41D0] =	vst v0  }
0x25: {  	[tilespmem:s0+$0x41E0] =	vst v0  }
0x26: {  	[tilespmem:$0x8180] =	vst v0  }
0x27: {  	[tilespmem:$0x8190] =	vst v0  }
0x28: {  	[tilespmem:$0x81A0] =	vst v0  }
0x29: {  	[tilespmem:$0x81B0] =	vst v0  }
0x2a: {  	[tilespmem:$0x81C0] =	vst v0  }
0x2b: {  	[tilespmem:$0x81D0] =	vst v0  }
0x2c: {  	[tilespmem:$0x81E0] =	vst v0  }
0x2d: {  	[tilespmem:$0x81F0] =	vst v0  }
0x2e: {  	[tilespmem:$0x8200] =	vst v0  }
0x2f: {  	[tilespmem:$0x8210] =	vst v0  }
0x30: {  	[tilespmem:$0x8220] =	vst v0  }
0x31: {  	[tilespmem:$0x8230] =	vst v0  }
0x32: {  	[tilespmem:$0x8240] =	vst v0  }
0x33: {  	[tilespmem:$0x8250] =	vst v0  }
0x34: {  	[tilespmem:$0x8260] =	vst v0  }
0x35: {  	[tilespmem:$0x8270] =	vst v0  }
0x36: {  	[tilespmem:$0x8280] =	vst v0  }
0x37: {  	[tilespmem:$0x8290] =	vst v0  }
0x38: {  	[tilespmem:$0x82A0] =	vst v0  }
0x39: {  	[tilespmem:$0x82B0] =	vst v0  }
0x3a: {  	[tilespmem:$0x82C0] =	vst v0  }
0x3b: {  	[tilespmem:$0x82D0] =	vst v0  }
0x3c: {  	[tilespmem:$0x82E0] =	vst v0  }
0x3d: {  	[tilespmem:$0x82F0] =	vst v0  }
0x3e: {  	[tilespmem:$0x8300] =	vst v0  }
0x3f: {  	[tilespmem:$0x8310] =	vst v0  }
0x40: {  	[tilespmem:$0x8320] =	vst v0  }
0x41: {  	[tilespmem:$0x8330] =	vst v0  }
0x42: {  	[tilespmem:$0x8340] =	vst v0  }
0x43: {  	[tilespmem:$0x8350] =	vst v0  }
0x44: {  	[tilespmem:$0x8360] =	vst v0  }
0x45: {  	[tilespmem:$0x8370] =	vst v0  }
0x46: {  	[tilespmem:$0x8380] =	vst v0  }
0x47: {  	[tilespmem:$0x8390] =	vst v0  }
0x48: {  	[tilespmem:$0x83A0] =	vst v0  }
0x49: {  	[tilespmem:$0x83B0] =	vst v0  }
0x4a: {  	[tilespmem:$0x83C0] =	vst v0  }
0x4b: {  	[tilespmem:$0x83D0] =	vst v0  }
0x4c: {  	[tilespmem:$0x83E0] =	vst v0  }
0x4d: {  	[tilespmem:$0x83F0] =	vst v0  }
0x4e: {  	[spmem:s10] =	stream.linear.scatter [tilespmem:s20], [sflag:$0x2], $0x4000, $0x38;
	[tilespmem:$0x1C680] =	vst v63  }
0x4f: {  	_ =	swait.ge [sflag:s21], $0x4000  }
0x50: {  	[sflag:s21] =	ssyncset.done $0x0  }
0x51: {  	[sflag:s21] =	ssyncadd.s32 $0xFFFFC000  }
0x52: {  	[spmem:s11] =	stream.linear.scatter [tilespmem:s20], [sflag:$0x2], $0x4000, $0x38;
	[tilespmem:$0x1C680] =	vst v63  }
0x53: {  	_ =	swait.ge [sflag:s21], $0x4000  }
0x54: {  	[sflag:s21] =	ssyncset.done $0x0  }
0x55: {  	[sflag:s21] =	ssyncadd.s32 $0xFFFFC000  }
0x56: {  	[spmem:s12] =	stream.linear.scatter [tilespmem:s20], [sflag:$0x2], $0x4000, $0x38;
	[tilespmem:$0x1C680] =	vst v63  }
0x57: {  	_ =	swait.ge [sflag:s21], $0x4000  }
0x58: {  	[sflag:s21] =	ssyncset.done $0x0  }
0x59: {  	[sflag:s21] =	ssyncadd.s32 $0xFFFFC000  }
0x5a: {  	[spmem:s13] =	stream.linear.scatter [tilespmem:s20], [sflag:$0x2], $0x4000, $0x38;
	[tilespmem:$0x1C680] =	vst v63  }
0x5b: {  	_ =	swait.ge [sflag:s21], $0x4000  }
0x5c: {  	[sflag:s21] =	ssyncset.done $0x0  }
0x5d: {  	[sflag:s21] =	ssyncadd.s32 $0xFFFFC000  }
0x5e: {  	[spmem:s14] =	stream.linear.scatter [tilespmem:s20], [sflag:$0x2], $0x4000, $0x38;
	[tilespmem:$0x1C680] =	vst v63  }
0x5f: {  	_ =	swait.ge [sflag:s21], $0x4000  }
0x60: {  	[sflag:s21] =	ssyncset.done $0x0  }
0x61: {  	s22 =	simm.s32 $0x8180;
	[sflag:s21] =	ssyncadd.s32 $0xFFFFC000  }
0x62: {  	[spmem:s15] =	stream.linear.scatter [tilespmem:s22], [sflag:$0x2], $0x280, $0x38;
	[tilespmem:$0x1C680] =	vst v63  }
0x63: {  	_ =	swait.ge [sflag:s21], $0x280  }
0x64: {  	[sflag:s21] =	ssyncset.done $0x0  }
0x65: {  	[sflag:s21] =	ssyncadd.s32 $0xFFFFFD80  }
0x66: {  	s31 =	simm.s32 $0x0;
	[bflag:$0x0] =	sbarrier.arrive $0xFFFF  }
.LBB2_4:
0x67: {  	s0 =	sshll.u32 s31, $0x7  }
0x68: {  	s0 =	sadd.s32 s16, s0  }
0x69: {  	s22 =	sshrl.u32 s0, $0x3  }
0x6a: {  	s4 =	sadd.s32 s1, s22  }
0x6b: {  	[tilespmem:s30], [sflag:$0x2] =	stream.linear.gather [hbm4b:s4+s30], $0x80, $0x38;
	[tilespmem:$0x1C680] =	vst v63  }
0x6c: {  	_ =	swait.ge [sflag:s21], $0x80  }
0x6d: {  	[sflag:s21] =	ssyncset.done $0x0  }
0x6e: {  	s4 =	sadd.s32 s7, s22;
	[sflag:s21] =	ssyncadd.s32 $0xFFFFFF80  }
0x6f: {  	[tilespmem:s23], [sflag:$0x2] =	stream.linear.gather [hbm4b:s4+s30], $0x80, $0x38;
	[tilespmem:$0x1C680] =	vst v63  }
0x70: {  	_ =	swait.ge [sflag:s21], $0x80  }
0x71: {  	[sflag:s21] =	ssyncset.done $0x0  }
0x72: {  	s22 =	sadd.s32 s8, s22;
	[sflag:s21] =	ssyncadd.s32 $0xFFFFFF80  }
0x73: {  	[tilespmem:s24], [sflag:$0x2] =	stream.linear.gather [hbm4b:s22+s30], $0x80, $0x38;
	[tilespmem:$0x1C680] =	vst v63  }
0x74: {  	_ =	swait.ge [sflag:s21], $0x80  }
0x75: {  	s0 =	sshll.u32 s0, $0x4;
	[sflag:s21] =	ssyncset.done $0x0  }
0x76: {  	s0 =	sadd.s32 s9, s0;
	[sflag:s21] =	ssyncadd.s32 $0xFFFFFF80  }
0x77: {  	[tilespmem:s25], [sflag:$0x2] =	stream.linear.gather [hbm4b:s0+s30], $0x4000, $0x38;
	[tilespmem:$0x1C680] =	vst v63  }
0x78: {  	_ =	swait.ge [sflag:s21], $0x4000  }
0x79: {  	[sflag:s21] =	ssyncset.done $0x0  }
0x7a: {  	[sflag:s21] =	ssyncadd.s32 $0xFFFFC000  }
0x7b: {  	[tilespmem:s20], [sflag:$0x1] =	stream.indirect.gather [hbm4b:s6+s23], $0x80, s30, s23, $0xb8;
	[tilespmem:$0x1C680] =	vst v63  }
0x7c: {  	_ =	swait.ge [sflag:s26], $0x4000  }
0x7d: {  	[sflag:s26] =	ssyncset.done $0x0  }
0x7e: {  	s0 =	simm.s32 $0x0;
	[sflag:s26] =	ssyncadd.s32 $0xFFFFC000  }
0x7f: {  	v1 =	vld [tilespmem:s0+$0x180]  }
0x80: {  	v5 =	vld [tilespmem:s0+$0x4180]  }
0x81: {  	v7 =	vld [tilespmem:s0+$0x4190]  }
0x82: {  	v6 =	vld [tilespmem:s0+$0x41A0]  }
0x83: {  	v4 =	vld [tilespmem:s0+$0x41B0]  }
0x84: {  	v2 =	vld [tilespmem:s0+$0x41C0]  }
0x85: {  	v3 =	vld [tilespmem:s0+$0x41D0];
	v8 =	vmul.f32 v5, v1  }
0x86: {  	s22 =	simm.s32 $0x200;
	v7 =	vmul.f32 v7, v1;
	v5 =	vld [tilespmem:s0+$0x41E0]  }
.LBB2_5:
0x87: {  	s4 =	sshra.s32 s22, $0x2;
	p0 =	sne.s32 s22, $0xFE00;
	[tilespmem:s0+$0x4180] =	vst v8;
	v6 =	vmul.f32 v6, v1;
	v8 =	vld [tilespmem:s0+$0x41F0]  }
0x88: {  	v9 =	vld [tilespmem:s4+$0x180];
	[tilespmem:s0+$0x4190] =	vst v7;
	v4 =	vmul.f32 v4, v1  }
0x89: {  	v7 =	vld [tilespmem:s4+$0x4180];
	[tilespmem:s0+$0x41A0] =	vst v6;
	v2 =	vmul.f32 v2, v1  }
0x8a: {  	v10 =	vld [tilespmem:s4+$0x4190];
	[tilespmem:s0+$0x41B0] =	vst v4;
	v3 =	vmul.f32 v3, v1  }
.Ltmp1:
0x8b: {  	v6 =	vld [tilespmem:s4+$0x41A0];
	[tilespmem:s0+$0x41C0] =	vst v2;
	v5 =	vmul.f32 v5, v1;
	(pc) =	sbr.rel @p0 .LBB2_5-.Ltmp1, $4  }
0x8c: {  	v4 =	vld [tilespmem:s4+$0x41B0];
	[tilespmem:s0+$0x41D0] =	vst v3;
	v11 =	vmul.f32 v8, v1  }
0x8d: {  	v2 =	vld [tilespmem:s4+$0x41C0];
	[tilespmem:s0+$0x41E0] =	vst v5;
	v1 =	vmov v9  }
0x8e: {  	v8 =	vmul.f32 v7, v1;
	v3 =	vld [tilespmem:s4+$0x41D0];
	[tilespmem:s0+$0x41F0] =	vst v11;
	s0 =	smov.u32 s4  }
0x8f: {  	s22 =	sadd.s32 $0x200, s22;
	v7 =	vmul.f32 v10, v1;
	v5 =	vld [tilespmem:s0+$0x41E0]  }
0x90: {  	[tilespmem:s0+$0x4180] =	vst v8;
	v6 =	vmul.f32 v6, v1;
	v63 =	vld [tilespmem:s0+$0x41F0]  }
0x91: {  	[tilespmem:s0+$0x4190] =	vst v7;
	v4 =	vmul.f32 v4, v1  }
0x92: {  	[tilespmem:s0+$0x41A0] =	vst v6;
	v2 =	vmul.f32 v2, v1  }
0x93: {  	[tilespmem:s0+$0x41B0] =	vst v4;
	v3 =	vmul.f32 v3, v1  }
0x94: {  	[tilespmem:s0+$0x41C0] =	vst v2;
	v2 =	vmul.f32 v5, v1  }
0x95: {  	[tilespmem:s0+$0x41D0] =	vst v3;
	v1 =	vmul.f32 v63, v1  }
0x96: {  	[tilespmem:s0+$0x41E0] =	vst v2  }
0x97: {  	[tilespmem:s0+$0x41F0] =	vst v1  }
0x98: {  	[spmem:s2] =	stream.indirect.scatter.add.f32 [tilespmem:s20], [sflag:$0x2], $0x80, s23, s23, $0xb8;
	[tilespmem:$0x1C680] =	vst v63  }
0x99: {  	s31 =	sadd.s32 $0x1, s31;
	_ =	swait.ge [sflag:s21], $0x4000  }
0x9a: {  	p0 =	sne.s32 s31, $0x4F;
	[sflag:s21] =	ssyncset.done $0x0  }
.Ltmp2:
0x9b: {  	[sflag:s21] =	ssyncadd.s32 $0xFFFFC000;
	(pc) =	sbr.rel @p0 .LBB2_4-.Ltmp2, $4  }
0x9c: {  	[spmem:s3] =	stream.indirect.scatter.add.f32 [tilespmem:s24], [sflag:$0x2], $0x1, s23, s23, $0xb8;
	[tilespmem:$0x1C680] =	vst v63  }
0x9d: {  	_ =	swait.ge [sflag:s21], $0x80  }
0x9e: {  	[sflag:s21] =	ssyncset.done $0x0  }
0x9f: {  	[sflag:s21] =	ssyncadd.s32 $0xFFFFFF80  }
0xa0: {  	s0 =	stileid.u32  }
0xa1: {  	s0 =	sshll.u32 s0, $0x6  }
0xa2: {  	[bflag:$0x0] =	sbarrier.arrive $0xFFFF;
	s4 =	sshrl.u32 s10, $0x3;
	s0 =	sor.u32 $0x1C02, s0  }
0xa3: {  	[hbm:s17], [sflag:s0] =	dma.local [spmem:s4], $0x2800  }
0xa4: {  	s5 =	sadd.s32 $0x1, s5;
	_ =	swait.ge [sflag:s21], $0x2800  }
0xa5: {  	p0 =	sne.s32 s5, s19;
	[sflag:s21] =	ssyncset.done $0x0  }
.Ltmp3:
0xa6: {  	s31 =	sshrl.u32 s15, $0x3;
	[sflag:s21] =	ssyncadd.s32 $0xFFFFD800;
	(pc) =	sbr.rel @p0 .LBB2_1-.Ltmp3, $4  }
0xa7: {  	[hbm:s18@s28], [sflag:s0] =	dma.strided [spmem:s31@s29], $0x50, s26, $0x10   }
0xa8: {  	_ =	swait.ge [sflag:s21], $0x50  }
0xa9: {  	[sflag:s21] =	ssyncset.done $0x0  }
0xaa: {  	[sflag:s21] =	ssyncadd.s32 $0xFFFFFFB0  }
0xab: {  	_ =	sfence.sel $0x180000  }
0xac: {  	[bflag:$0x0] =	sbarrier.arrive $0xFFFF  }
0xad: {  	_ =	strace $0x90000047  }
0xae: {  	s0 =	stileid.u32;
	[bflag:$0x2] =	sbarrier.arrive $0xFFFF  }
0xaf: {  	p0 =	sne.s32 s0, $0x0;
	s0 =	rddreg [dreg:$0x4]  }
0xb0: {  	s0 =	sadd.s32 @!p0 $0x100000, s0  }
0xb1: {  	[sflag:s0] =	ssyncadd.tile.s32 @!p0 $0x1;
	_ =	shalt  }
.Lfunc_end2:
_tile_overlayer_lowered:
.L_overlay_start_2:
0xb2: {  	(tag) =	ssettag $0x2  }
0xb3: {  	s0 =	rddreg [dreg:$0x0];
	s2 =	stileid.u32  }
0xb4: {  	s1 =	rddreg [dreg:$0x1];
	p0 =	sne.s32 s2, $0x0  }
0xb5: {  	s3 =	rddreg [dreg:$0x2];
	[bflag:$0x3] =	sbarrier.arrive $0xFFFF;
	s2 =	simm.s32 @!p0 $0x1C02  }
0xb6: {  	[timem:s3], [sflag:s2] =	dma.local @!p0 [hbm:s0], s1  }
0xb7: {  	s0 =	simm.s32 @!p0 $0x2  }
0xb8: {  	_ =	swait.ge @!p0 [sflag:s0], s1  }
0xb9: {  	s1 =	ssub.s32 @!p0 $0x0, s1;
	[sflag:s0] =	ssyncset.done @!p0 $0x0  }
0xba: {  	[sflag:s0] =	ssyncadd.s32 @!p0 s1  }
0xbb: {  	[bflag:$0x3] =	sbarrier.arrive $0xFFFF  }
0xbc: {  	_ =	shalt  }

</sc_bundles>
